<compile_context>
chip_gen: v7x
topology: tpu7x:2x2x1
jax: 0.10.2.dev20260603
libtpu: 0.0.44.dev20260713+nightly
codegen_flags: <defaults>
</compile_context>

<pallas_src>
import jax
import jax.numpy as jnp
from jax import lax
from jax.experimental import pallas as pl
from jax.experimental.pallas import tpu as pltpu
from jax.experimental.pallas import tpu_sc as plsc

_NC = 2
_NS = 16
_NW = _NC * _NS

_NBUF = 4
_CH = 800


def _gather_body(idx_hbm, table_hbm, out_hbm, *refs):
    idx_bufs = refs[0:_NBUF]
    row_bufs = refs[_NBUF:2 * _NBUF]
    si = refs[2 * _NBUF:3 * _NBUF]
    sg = refs[3 * _NBUF:4 * _NBUF]
    so = refs[4 * _NBUF:5 * _NBUF]

    wid = lax.axis_index("s") * _NC + lax.axis_index("c")
    n = idx_hbm.shape[0]
    b_per_w = n // _NW
    base = wid * b_per_w
    nch = b_per_w // _CH

    def idx_copy(c, b):
        return pltpu.make_async_copy(
            idx_hbm.at[pl.ds(base + c * _CH, _CH)], idx_bufs[b], si[b])

    def gather_copy(b):
        return pltpu.make_async_copy(
            table_hbm.at[idx_bufs[b]], row_bufs[b], sg[b])

    def out_copy(c, b):
        return pltpu.make_async_copy(
            row_bufs[b], out_hbm.at[pl.ds(base + c * _CH, _CH)], so[b])

    for b in range(_NBUF):
        idx_copy(b, b).start()
    for b in range(_NBUF):
        idx_copy(b, b).wait()
        gather_copy(b).start()

    def outer(o, carry):
        for b in range(_NBUF):
            c = o * _NBUF + b
            gather_copy(b).wait()
            out_copy(c, b).start()

            @pl.when(c + _NBUF < nch)
            def _():
                idx_copy(c + _NBUF, b).start()

            pb = (b - 1) % _NBUF
            pc = c - 1

            @pl.when(jnp.logical_and(pc >= 0, pc + _NBUF < nch))
            def _():
                out_copy(pc, pb).wait()
                idx_copy(pc + _NBUF, pb).wait()
                gather_copy(pb).start()

        return carry

    lax.fori_loop(0, nch // _NBUF, outer, 0)

    for b in range(_NBUF):
        c = nch - _NBUF + b
        out_copy(c, b).wait()


def kernel(x, table):
    b, h = x.shape
    _, d = table.shape
    n = b * h
    flat = x.reshape(n)

    mesh = plsc.VectorSubcoreMesh(core_axis_name="c", subcore_axis_name="s")
    scratch = (
        [pltpu.VMEM((_CH,), jnp.int32) for _ in range(_NBUF)]
        + [pltpu.VMEM((_CH, d), jnp.float32) for _ in range(_NBUF)]
        + [pltpu.SemaphoreType.DMA for _ in range(3 * _NBUF)]
    )
    f = pl.kernel(
        _gather_body,
        mesh=mesh,
        out_type=jax.ShapeDtypeStruct((n, d), jnp.float32),
        scratch_types=scratch,
        compiler_params=pltpu.CompilerParams(use_tc_tiling_on_sc=False),
    )
    out = f(flat, table)
    return out.reshape(b, h, d)

# --- scband reference (transcript-rebuilt; emitter-appended) ---
"""Pipeline reference for scband-torch-embedding-82918638616808 (READ-ONLY COPY).

The authoritative reference and input builder live on the scoring server;
editing this copy changes nothing except your own understanding.
"""

import jax, jax.numpy as jnp
import numpy as np

NUM_EMBEDDINGS = 1000000
EMBEDDING_DIM = 32
BATCH = 16384
HIST_LEN = 200


def setup_inputs(seed: int = 0) -> dict:
    key = jax.random.key(seed)
    k_idx, k_tab = jax.random.split(key)
    x = jax.random.randint(k_idx, (BATCH, HIST_LEN), 0, NUM_EMBEDDINGS, dtype=jnp.int64 if jax.config.jax_enable_x64 else jnp.int32)
    table = jax.random.normal(k_tab, (NUM_EMBEDDINGS, EMBEDDING_DIM), dtype=jnp.float32) * 0.02
    return {"x": x, "table": table}


def reference(x, table):
    # Faithful translation of nn.Embed.__call__: gather rows of the embedding table.
    return jnp.take(table, x, axis=0)

if __name__ == "__main__":
    import jax
    _d = setup_inputs()
    print(jax.jit(kernel)(*tuple(_d.values())))

</pallas_src>

<mosaic_0001>
#map = affine_map<(d0, d1) -> (0)>
#map1 = affine_map<(d0, d1) -> (0, 0)>
module attributes {stable_mosaic.version = 14 : i64} {
  func.func @_gather_body(%arg0: i32, %arg1: i32, %arg2: memref<3276800xi32, #tpu.memory_space<hbm>>, %arg3: memref<1000000x32xf32, #tpu.memory_space<hbm>>, %arg4: memref<3276800x32xf32, #tpu.memory_space<hbm>>, %arg5: memref<800xi32, #tpu.memory_space<vmem>>, %arg6: memref<800xi32, #tpu.memory_space<vmem>>, %arg7: memref<800xi32, #tpu.memory_space<vmem>>, %arg8: memref<800xi32, #tpu.memory_space<vmem>>, %arg9: memref<800x32xf32, #tpu.memory_space<vmem>>, %arg10: memref<800x32xf32, #tpu.memory_space<vmem>>, %arg11: memref<800x32xf32, #tpu.memory_space<vmem>>, %arg12: memref<800x32xf32, #tpu.memory_space<vmem>>, %arg13: memref<!tpu.dma_semaphore, #tpu.memory_space<semaphore_mem>>, %arg14: memref<!tpu.dma_semaphore, #tpu.memory_space<semaphore_mem>>, %arg15: memref<!tpu.dma_semaphore, #tpu.memory_space<semaphore_mem>>, %arg16: memref<!tpu.dma_semaphore, #tpu.memory_space<semaphore_mem>>, %arg17: memref<!tpu.dma_semaphore, #tpu.memory_space<semaphore_mem>>, %arg18: memref<!tpu.dma_semaphore, #tpu.memory_space<semaphore_mem>>, %arg19: memref<!tpu.dma_semaphore, #tpu.memory_space<semaphore_mem>>, %arg20: memref<!tpu.dma_semaphore, #tpu.memory_space<semaphore_mem>>, %arg21: memref<!tpu.dma_semaphore, #tpu.memory_space<semaphore_mem>>, %arg22: memref<!tpu.dma_semaphore, #tpu.memory_space<semaphore_mem>>, %arg23: memref<!tpu.dma_semaphore, #tpu.memory_space<semaphore_mem>>, %arg24: memref<!tpu.dma_semaphore, #tpu.memory_space<semaphore_mem>>) attributes {dimension_semantics = [#tpu.dimension_semantics<core_parallel>, #tpu.dimension_semantics<subcore_parallel>], iteration_bounds = array<i64: 2, 16>, scalar_prefetch = 0 : i64, scratch_operands = 20 : i64, tpu.core_type = #tpu.core_type<sc_vector_subcore>, window_params = [{transform_indices = #map}, {transform_indices = #map1}, {transform_indices = #map1}]} {
    %mul3A = arith.constant 2 : i32
    %mul3A_0 = arith.muli %arg1, %mul3A : i32
    %add3A = arith.addi %mul3A_0, %arg0 : i32
    %mul3A_1 = arith.constant 102400 : i32
    %mul3A_2 = arith.muli %add3A, %mul3A_1 : i32
    %add3A_3 = arith.constant 0 : i32
    %add3A_4 = arith.addi %mul3A_2, %add3A_3 : i32
    %dma_start3A = tpu.memref_slice %arg2[%add3A_4] : memref<3276800xi32, #tpu.memory_space<hbm>> -> memref<800xi32, #tpu.memory_space<hbm>>
    %dma_start3A_5 = tpu.memref_slice %arg2[%add3A_4] : memref<3276800xi32, #tpu.memory_space<hbm>> -> memref<800xi32, #tpu.memory_space<hbm>>
    tpu.enqueue_dma source(%dma_start3A_5 : memref<800xi32, #tpu.memory_space<hbm>>) target(%arg5 : memref<800xi32, #tpu.memory_space<vmem>>) target_semaphore(%arg13 : memref<!tpu.dma_semaphore, #tpu.memory_space<semaphore_mem>>)
    %add3A_6 = arith.constant 800 : i32
    %add3A_7 = arith.addi %mul3A_2, %add3A_6 : i32
    %dma_start3A_8 = tpu.memref_slice %arg2[%add3A_7] : memref<3276800xi32, #tpu.memory_space<hbm>> -> memref<800xi32, #tpu.memory_space<hbm>>
    %dma_start3A_9 = tpu.memref_slice %arg2[%add3A_7] : memref<3276800xi32, #tpu.memory_space<hbm>> -> memref<800xi32, #tpu.memory_space<hbm>>
    tpu.enqueue_dma source(%dma_start3A_9 : memref<800xi32, #tpu.memory_space<hbm>>) target(%arg6 : memref<800xi32, #tpu.memory_space<vmem>>) target_semaphore(%arg14 : memref<!tpu.dma_semaphore, #tpu.memory_space<semaphore_mem>>)
    %add3A_10 = arith.constant 1600 : i32
    %add3A_11 = arith.addi %mul3A_2, %add3A_10 : i32
    %dma_start3A_12 = tpu.memref_slice %arg2[%add3A_11] : memref<3276800xi32, #tpu.memory_space<hbm>> -> memref<800xi32, #tpu.memory_space<hbm>>
    %dma_start3A_13 = tpu.memref_slice %arg2[%add3A_11] : memref<3276800xi32, #tpu.memory_space<hbm>> -> memref<800xi32, #tpu.memory_space<hbm>>
    tpu.enqueue_dma source(%dma_start3A_13 : memref<800xi32, #tpu.memory_space<hbm>>) target(%arg7 : memref<800xi32, #tpu.memory_space<vmem>>) target_semaphore(%arg15 : memref<!tpu.dma_semaphore, #tpu.memory_space<semaphore_mem>>)
    %add3A_14 = arith.constant 2400 : i32
    %add3A_15 = arith.addi %mul3A_2, %add3A_14 : i32
    %dma_start3A_16 = tpu.memref_slice %arg2[%add3A_15] : memref<3276800xi32, #tpu.memory_space<hbm>> -> memref<800xi32, #tpu.memory_space<hbm>>
    %dma_start3A_17 = tpu.memref_slice %arg2[%add3A_15] : memref<3276800xi32, #tpu.memory_space<hbm>> -> memref<800xi32, #tpu.memory_space<hbm>>
    tpu.enqueue_dma source(%dma_start3A_17 : memref<800xi32, #tpu.memory_space<hbm>>) target(%arg8 : memref<800xi32, #tpu.memory_space<vmem>>) target_semaphore(%arg16 : memref<!tpu.dma_semaphore, #tpu.memory_space<semaphore_mem>>)
    %add3A_18 = arith.constant 0 : i32
    %add3A_19 = arith.addi %mul3A_2, %add3A_18 : i32
    %dma_wait3A = tpu.memref_slice %arg2[%add3A_19] : memref<3276800xi32, #tpu.memory_space<hbm>> -> memref<800xi32, #tpu.memory_space<hbm>>
    %dma_wait3A_20 = tpu.memref_slice %arg2[%add3A_19] : memref<3276800xi32, #tpu.memory_space<hbm>> -> memref<800xi32, #tpu.memory_space<hbm>>
    tpu.wait_dma2 semaphore(%arg13 : memref<!tpu.dma_semaphore, #tpu.memory_space<semaphore_mem>>) src(%dma_wait3A_20 : memref<800xi32, #tpu.memory_space<hbm>>) dst(%arg5 : memref<800xi32, #tpu.memory_space<vmem>>)
    %dma_start3A_21 = arith.constant 0 : i32
    %dma_start3A_22 = arith.constant 0 : i32
    %dma_start3A_23 = tpu.memref_slice %arg3[%dma_start3A_21, %dma_start3A_22] : memref<1000000x32xf32, #tpu.memory_space<hbm>> -> memref<1000000x32xf32, #tpu.memory_space<hbm>>
    tpu.enqueue_indirect_dma source(%dma_start3A_23 : memref<1000000x32xf32, #tpu.memory_space<hbm>>) target(%arg9 : memref<800x32xf32, #tpu.memory_space<vmem>>) offsets(%arg5 : memref<800xi32, #tpu.memory_space<vmem>>) semaphore(%arg17 : memref<!tpu.dma_semaphore, #tpu.memory_space<semaphore_mem>>)
    %add3A_24 = arith.constant 800 : i32
    %add3A_25 = arith.addi %mul3A_2, %add3A_24 : i32
    %dma_wait3A_26 = tpu.memref_slice %arg2[%add3A_25] : memref<3276800xi32, #tpu.memory_space<hbm>> -> memref<800xi32, #tpu.memory_space<hbm>>
    %dma_wait3A_27 = tpu.memref_slice %arg2[%add3A_25] : memref<3276800xi32, #tpu.memory_space<hbm>> -> memref<800xi32, #tpu.memory_space<hbm>>
    tpu.wait_dma2 semaphore(%arg14 : memref<!tpu.dma_semaphore, #tpu.memory_space<semaphore_mem>>) src(%dma_wait3A_27 : memref<800xi32, #tpu.memory_space<hbm>>) dst(%arg6 : memref<800xi32, #tpu.memory_space<vmem>>)
    %dma_start3A_28 = arith.constant 0 : i32
    %dma_start3A_29 = arith.constant 0 : i32
    %dma_start3A_30 = tpu.memref_slice %arg3[%dma_start3A_28, %dma_start3A_29] : memref<1000000x32xf32, #tpu.memory_space<hbm>> -> memref<1000000x32xf32, #tpu.memory_space<hbm>>
    tpu.enqueue_indirect_dma source(%dma_start3A_30 : memref<1000000x32xf32, #tpu.memory_space<hbm>>) target(%arg10 : memref<800x32xf32, #tpu.memory_space<vmem>>) offsets(%arg6 : memref<800xi32, #tpu.memory_space<vmem>>) semaphore(%arg18 : memref<!tpu.dma_semaphore, #tpu.memory_space<semaphore_mem>>)
    %add3A_31 = arith.constant 1600 : i32
    %add3A_32 = arith.addi %mul3A_2, %add3A_31 : i32
    %dma_wait3A_33 = tpu.memref_slice %arg2[%add3A_32] : memref<3276800xi32, #tpu.memory_space<hbm>> -> memref<800xi32, #tpu.memory_space<hbm>>
    %dma_wait3A_34 = tpu.memref_slice %arg2[%add3A_32] : memref<3276800xi32, #tpu.memory_space<hbm>> -> memref<800xi32, #tpu.memory_space<hbm>>
    tpu.wait_dma2 semaphore(%arg15 : memref<!tpu.dma_semaphore, #tpu.memory_space<semaphore_mem>>) src(%dma_wait3A_34 : memref<800xi32, #tpu.memory_space<hbm>>) dst(%arg7 : memref<800xi32, #tpu.memory_space<vmem>>)
    %dma_start3A_35 = arith.constant 0 : i32
    %dma_start3A_36 = arith.constant 0 : i32
    %dma_start3A_37 = tpu.memref_slice %arg3[%dma_start3A_35, %dma_start3A_36] : memref<1000000x32xf32, #tpu.memory_space<hbm>> -> memref<1000000x32xf32, #tpu.memory_space<hbm>>
    tpu.enqueue_indirect_dma source(%dma_start3A_37 : memref<1000000x32xf32, #tpu.memory_space<hbm>>) target(%arg11 : memref<800x32xf32, #tpu.memory_space<vmem>>) offsets(%arg7 : memref<800xi32, #tpu.memory_space<vmem>>) semaphore(%arg19 : memref<!tpu.dma_semaphore, #tpu.memory_space<semaphore_mem>>)
    %add3A_38 = arith.constant 2400 : i32
    %add3A_39 = arith.addi %mul3A_2, %add3A_38 : i32
    %dma_wait3A_40 = tpu.memref_slice %arg2[%add3A_39] : memref<3276800xi32, #tpu.memory_space<hbm>> -> memref<800xi32, #tpu.memory_space<hbm>>
    %dma_wait3A_41 = tpu.memref_slice %arg2[%add3A_39] : memref<3276800xi32, #tpu.memory_space<hbm>> -> memref<800xi32, #tpu.memory_space<hbm>>
    tpu.wait_dma2 semaphore(%arg16 : memref<!tpu.dma_semaphore, #tpu.memory_space<semaphore_mem>>) src(%dma_wait3A_41 : memref<800xi32, #tpu.memory_space<hbm>>) dst(%arg8 : memref<800xi32, #tpu.memory_space<vmem>>)
    %dma_start3A_42 = arith.constant 0 : i32
    %dma_start3A_43 = arith.constant 0 : i32
    %dma_start3A_44 = tpu.memref_slice %arg3[%dma_start3A_42, %dma_start3A_43] : memref<1000000x32xf32, #tpu.memory_space<hbm>> -> memref<1000000x32xf32, #tpu.memory_space<hbm>>
    tpu.enqueue_indirect_dma source(%dma_start3A_44 : memref<1000000x32xf32, #tpu.memory_space<hbm>>) target(%arg12 : memref<800x32xf32, #tpu.memory_space<vmem>>) offsets(%arg8 : memref<800xi32, #tpu.memory_space<vmem>>) semaphore(%arg20 : memref<!tpu.dma_semaphore, #tpu.memory_space<semaphore_mem>>)
    %scan3A = arith.constant 0 : i32
    %scan3A_45 = arith.constant 0 : i32
    %scan3A_46 = arith.constant 32 : i32
    %scan3A_47 = arith.addi %scan3A_45, %scan3A_46 : i32
    %scan3A_48 = arith.constant 1 : i32
    scf.for %scan3A_74 = %scan3A_45 to %scan3A_47 step %scan3A_48  : i32 {
      %mul3A_75 = arith.constant 4 : i32
      %mul3A_76 = arith.muli %scan3A_74, %mul3A_75 : i32
      %add3A_77 = arith.constant 0 : i32
      %add3A_78 = arith.addi %mul3A_76, %add3A_77 : i32
      %dma_wait3A_79 = arith.constant 0 : i32
      %dma_wait3A_80 = arith.constant 0 : i32
      %dma_wait3A_81 = tpu.memref_slice %arg3[%dma_wait3A_79, %dma_wait3A_80] : memref<1000000x32xf32, #tpu.memory_space<hbm>> -> memref<1000000x32xf32, #tpu.memory_space<hbm>>
      tpu.wait_indirect_dma semaphore(%arg17 : memref<!tpu.dma_semaphore, #tpu.memory_space<semaphore_mem>>) src(%dma_wait3A_81 : memref<1000000x32xf32, #tpu.memory_space<hbm>>) dst(%arg9 : memref<800x32xf32, #tpu.memory_space<vmem>>)
      %mul3A_82 = arith.constant 800 : i32
      %mul3A_83 = arith.muli %add3A_78, %mul3A_82 : i32
      %add3A_84 = arith.addi %mul3A_2, %mul3A_83 : i32
      %dma_start3A_85 = arith.constant 0 : i32
      %dma_start3A_86 = tpu.memref_slice %arg4[%add3A_84, %dma_start3A_85] : memref<3276800x32xf32, #tpu.memory_space<hbm>> -> memref<800x32xf32, #tpu.memory_space<hbm>>
      %dma_start3A_87 = arith.constant 0 : i32
      %dma_start3A_88 = tpu.memref_slice %arg4[%add3A_84, %dma_start3A_87] : memref<3276800x32xf32, #tpu.memory_space<hbm>> -> memref<800x32xf32, #tpu.memory_space<hbm>>
      tpu.enqueue_dma source(%arg9 : memref<800x32xf32, #tpu.memory_space<vmem>>) target(%dma_start3A_88 : memref<800x32xf32, #tpu.memory_space<hbm>>) target_semaphore(%arg21 : memref<!tpu.dma_semaphore, #tpu.memory_space<semaphore_mem>>)
      %add3A_89 = arith.constant 4 : i32
      %add3A_90 = arith.addi %add3A_78, %add3A_89 : i32
      %lt3A = arith.constant 128 : i32
      %lt3A_91 = arith.cmpi slt, %add3A_90, %lt3A : i32
      %convert_element_type3A = arith.extui %lt3A_91 : i1 to i32
      %cond3A = arith.constant 0 : i32
      %cond3A_92 = arith.cmpi ne, %convert_element_type3A, %cond3A : i32
      scf.if %cond3A_92 {
        %add3A_201 = arith.constant 4 : i32
        %add3A_202 = arith.addi %add3A_78, %add3A_201 : i32
        %mul3A_203 = arith.constant 800 : i32
        %mul3A_204 = arith.muli %add3A_202, %mul3A_203 : i32
        %add3A_205 = arith.addi %mul3A_2, %mul3A_204 : i32
        %dma_start3A_206 = tpu.memref_slice %arg2[%add3A_205] : memref<3276800xi32, #tpu.memory_space<hbm>> -> memref<800xi32, #tpu.memory_space<hbm>>
        %dma_start3A_207 = tpu.memref_slice %arg2[%add3A_205] : memref<3276800xi32, #tpu.memory_space<hbm>> -> memref<800xi32, #tpu.memory_space<hbm>>
        tpu.enqueue_dma source(%dma_start3A_207 : memref<800xi32, #tpu.memory_space<hbm>>) target(%arg5 : memref<800xi32, #tpu.memory_space<vmem>>) target_semaphore(%arg13 : memref<!tpu.dma_semaphore, #tpu.memory_space<semaphore_mem>>)
      } else {
      }
      %sub3A = arith.constant 1 : i32
      %sub3A_93 = arith.subi %add3A_78, %sub3A : i32
      %ge3A = arith.constant 0 : i32
      %ge3A_94 = arith.cmpi sge, %sub3A_93, %ge3A : i32
      %add3A_95 = arith.constant 4 : i32
      %add3A_96 = arith.addi %sub3A_93, %add3A_95 : i32
      %lt3A_97 = arith.constant 128 : i32
      %lt3A_98 = arith.cmpi slt, %add3A_96, %lt3A_97 : i32
      %and3A = arith.andi %ge3A_94, %lt3A_98 : i1
      %convert_element_type3A_99 = arith.extui %and3A : i1 to i32
      %cond3A_100 = arith.constant 0 : i32
      %cond3A_101 = arith.cmpi ne, %convert_element_type3A_99, %cond3A_100 : i32
      scf.if %cond3A_101 {
        %mul3A_201 = arith.constant 800 : i32
        %mul3A_202 = arith.muli %sub3A_93, %mul3A_201 : i32
        %add3A_203 = arith.addi %mul3A_2, %mul3A_202 : i32
        %dma_wait3A_204 = arith.constant 0 : i32
        %dma_wait3A_205 = tpu.memref_slice %arg4[%add3A_203, %dma_wait3A_204] : memref<3276800x32xf32, #tpu.memory_space<hbm>> -> memref<800x32xf32, #tpu.memory_space<hbm>>
        %dma_wait3A_206 = arith.constant 0 : i32
        %dma_wait3A_207 = tpu.memref_slice %arg4[%add3A_203, %dma_wait3A_206] : memref<3276800x32xf32, #tpu.memory_space<hbm>> -> memref<800x32xf32, #tpu.memory_space<hbm>>
        tpu.wait_dma2 semaphore(%arg24 : memref<!tpu.dma_semaphore, #tpu.memory_space<semaphore_mem>>) src(%arg12 : memref<800x32xf32, #tpu.memory_space<vmem>>) dst(%dma_wait3A_207 : memref<800x32xf32, #tpu.memory_space<hbm>>)
        %add3A_208 = arith.constant 4 : i32
        %add3A_209 = arith.addi %sub3A_93, %add3A_208 : i32
        %mul3A_210 = arith.constant 800 : i32
        %mul3A_211 = arith.muli %add3A_209, %mul3A_210 : i32
        %add3A_212 = arith.addi %mul3A_2, %mul3A_211 : i32
        %dma_wait3A_213 = tpu.memref_slice %arg2[%add3A_212] : memref<3276800xi32, #tpu.memory_space<hbm>> -> memref<800xi32, #tpu.memory_space<hbm>>
        %dma_wait3A_214 = tpu.memref_slice %arg2[%add3A_212] : memref<3276800xi32, #tpu.memory_space<hbm>> -> memref<800xi32, #tpu.memory_space<hbm>>
        tpu.wait_dma2 semaphore(%arg16 : memref<!tpu.dma_semaphore, #tpu.memory_space<semaphore_mem>>) src(%dma_wait3A_214 : memref<800xi32, #tpu.memory_space<hbm>>) dst(%arg8 : memref<800xi32, #tpu.memory_space<vmem>>)
        %dma_start3A_215 = arith.constant 0 : i32
        %dma_start3A_216 = arith.constant 0 : i32
        %dma_start3A_217 = tpu.memref_slice %arg3[%dma_start3A_215, %dma_start3A_216] : memref<1000000x32xf32, #tpu.memory_space<hbm>> -> memref<1000000x32xf32, #tpu.memory_space<hbm>>
        tpu.enqueue_indirect_dma source(%dma_start3A_217 : memref<1000000x32xf32, #tpu.memory_space<hbm>>) target(%arg12 : memref<800x32xf32, #tpu.memory_space<vmem>>) offsets(%arg8 : memref<800xi32, #tpu.memory_space<vmem>>) semaphore(%arg20 : memref<!tpu.dma_semaphore, #tpu.memory_space<semaphore_mem>>)
      } else {
      }
      %mul3A_102 = arith.constant 4 : i32
      %mul3A_103 = arith.muli %scan3A_74, %mul3A_102 : i32
      %add3A_104 = arith.constant 1 : i32
      %add3A_105 = arith.addi %mul3A_103, %add3A_104 : i32
      %dma_wait3A_106 = arith.constant 0 : i32
      %dma_wait3A_107 = arith.constant 0 : i32
      %dma_wait3A_108 = tpu.memref_slice %arg3[%dma_wait3A_106, %dma_wait3A_107] : memref<1000000x32xf32, #tpu.memory_space<hbm>> -> memref<1000000x32xf32, #tpu.memory_space<hbm>>
      tpu.wait_indirect_dma semaphore(%arg18 : memref<!tpu.dma_semaphore, #tpu.memory_space<semaphore_mem>>) src(%dma_wait3A_108 : memref<1000000x32xf32, #tpu.memory_space<hbm>>) dst(%arg10 : memref<800x32xf32, #tpu.memory_space<vmem>>)
      %mul3A_109 = arith.constant 800 : i32
      %mul3A_110 = arith.muli %add3A_105, %mul3A_109 : i32
      %add3A_111 = arith.addi %mul3A_2, %mul3A_110 : i32
      %dma_start3A_112 = arith.constant 0 : i32
      %dma_start3A_113 = tpu.memref_slice %arg4[%add3A_111, %dma_start3A_112] : memref<3276800x32xf32, #tpu.memory_space<hbm>> -> memref<800x32xf32, #tpu.memory_space<hbm>>
      %dma_start3A_114 = arith.constant 0 : i32
      %dma_start3A_115 = tpu.memref_slice %arg4[%add3A_111, %dma_start3A_114] : memref<3276800x32xf32, #tpu.memory_space<hbm>> -> memref<800x32xf32, #tpu.memory_space<hbm>>
      tpu.enqueue_dma source(%arg10 : memref<800x32xf32, #tpu.memory_space<vmem>>) target(%dma_start3A_115 : memref<800x32xf32, #tpu.memory_space<hbm>>) target_semaphore(%arg22 : memref<!tpu.dma_semaphore, #tpu.memory_space<semaphore_mem>>)
      %add3A_116 = arith.constant 4 : i32
      %add3A_117 = arith.addi %add3A_105, %add3A_116 : i32
      %lt3A_118 = arith.constant 128 : i32
      %lt3A_119 = arith.cmpi slt, %add3A_117, %lt3A_118 : i32
      %convert_element_type3A_120 = arith.extui %lt3A_119 : i1 to i32
      %cond3A_121 = arith.constant 0 : i32
      %cond3A_122 = arith.cmpi ne, %convert_element_type3A_120, %cond3A_121 : i32
      scf.if %cond3A_122 {
        %add3A_201 = arith.constant 4 : i32
        %add3A_202 = arith.addi %add3A_105, %add3A_201 : i32
        %mul3A_203 = arith.constant 800 : i32
        %mul3A_204 = arith.muli %add3A_202, %mul3A_203 : i32
        %add3A_205 = arith.addi %mul3A_2, %mul3A_204 : i32
        %dma_start3A_206 = tpu.memref_slice %arg2[%add3A_205] : memref<3276800xi32, #tpu.memory_space<hbm>> -> memref<800xi32, #tpu.memory_space<hbm>>
        %dma_start3A_207 = tpu.memref_slice %arg2[%add3A_205] : memref<3276800xi32, #tpu.memory_space<hbm>> -> memref<800xi32, #tpu.memory_space<hbm>>
        tpu.enqueue_dma source(%dma_start3A_207 : memref<800xi32, #tpu.memory_space<hbm>>) target(%arg6 : memref<800xi32, #tpu.memory_space<vmem>>) target_semaphore(%arg14 : memref<!tpu.dma_semaphore, #tpu.memory_space<semaphore_mem>>)
      } else {
      }
      %sub3A_123 = arith.constant 1 : i32
      %sub3A_124 = arith.subi %add3A_105, %sub3A_123 : i32
      %ge3A_125 = arith.constant 0 : i32
      %ge3A_126 = arith.cmpi sge, %sub3A_124, %ge3A_125 : i32
      %add3A_127 = arith.constant 4 : i32
      %add3A_128 = arith.addi %sub3A_124, %add3A_127 : i32
      %lt3A_129 = arith.constant 128 : i32
      %lt3A_130 = arith.cmpi slt, %add3A_128, %lt3A_129 : i32
      %and3A_131 = arith.andi %ge3A_126, %lt3A_130 : i1
      %convert_element_type3A_132 = arith.extui %and3A_131 : i1 to i32
      %cond3A_133 = arith.constant 0 : i32
      %cond3A_134 = arith.cmpi ne, %convert_element_type3A_132, %cond3A_133 : i32
      scf.if %cond3A_134 {
        %mul3A_201 = arith.constant 800 : i32
        %mul3A_202 = arith.muli %sub3A_124, %mul3A_201 : i32
        %add3A_203 = arith.addi %mul3A_2, %mul3A_202 : i32
        %dma_wait3A_204 = arith.constant 0 : i32
        %dma_wait3A_205 = tpu.memref_slice %arg4[%add3A_203, %dma_wait3A_204] : memref<3276800x32xf32, #tpu.memory_space<hbm>> -> memref<800x32xf32, #tpu.memory_space<hbm>>
        %dma_wait3A_206 = arith.constant 0 : i32
        %dma_wait3A_207 = tpu.memref_slice %arg4[%add3A_203, %dma_wait3A_206] : memref<3276800x32xf32, #tpu.memory_space<hbm>> -> memref<800x32xf32, #tpu.memory_space<hbm>>
        tpu.wait_dma2 semaphore(%arg21 : memref<!tpu.dma_semaphore, #tpu.memory_space<semaphore_mem>>) src(%arg9 : memref<800x32xf32, #tpu.memory_space<vmem>>) dst(%dma_wait3A_207 : memref<800x32xf32, #tpu.memory_space<hbm>>)
        %add3A_208 = arith.constant 4 : i32
        %add3A_209 = arith.addi %sub3A_124, %add3A_208 : i32
        %mul3A_210 = arith.constant 800 : i32
        %mul3A_211 = arith.muli %add3A_209, %mul3A_210 : i32
        %add3A_212 = arith.addi %mul3A_2, %mul3A_211 : i32
        %dma_wait3A_213 = tpu.memref_slice %arg2[%add3A_212] : memref<3276800xi32, #tpu.memory_space<hbm>> -> memref<800xi32, #tpu.memory_space<hbm>>
        %dma_wait3A_214 = tpu.memref_slice %arg2[%add3A_212] : memref<3276800xi32, #tpu.memory_space<hbm>> -> memref<800xi32, #tpu.memory_space<hbm>>
        tpu.wait_dma2 semaphore(%arg13 : memref<!tpu.dma_semaphore, #tpu.memory_space<semaphore_mem>>) src(%dma_wait3A_214 : memref<800xi32, #tpu.memory_space<hbm>>) dst(%arg5 : memref<800xi32, #tpu.memory_space<vmem>>)
        %dma_start3A_215 = arith.constant 0 : i32
        %dma_start3A_216 = arith.constant 0 : i32
        %dma_start3A_217 = tpu.memref_slice %arg3[%dma_start3A_215, %dma_start3A_216] : memref<1000000x32xf32, #tpu.memory_space<hbm>> -> memref<1000000x32xf32, #tpu.memory_space<hbm>>
        tpu.enqueue_indirect_dma source(%dma_start3A_217 : memref<1000000x32xf32, #tpu.memory_space<hbm>>) target(%arg9 : memref<800x32xf32, #tpu.memory_space<vmem>>) offsets(%arg5 : memref<800xi32, #tpu.memory_space<vmem>>) semaphore(%arg17 : memref<!tpu.dma_semaphore, #tpu.memory_space<semaphore_mem>>)
      } else {
      }
      %mul3A_135 = arith.constant 4 : i32
      %mul3A_136 = arith.muli %scan3A_74, %mul3A_135 : i32
      %add3A_137 = arith.constant 2 : i32
      %add3A_138 = arith.addi %mul3A_136, %add3A_137 : i32
      %dma_wait3A_139 = arith.constant 0 : i32
      %dma_wait3A_140 = arith.constant 0 : i32
      %dma_wait3A_141 = tpu.memref_slice %arg3[%dma_wait3A_139, %dma_wait3A_140] : memref<1000000x32xf32, #tpu.memory_space<hbm>> -> memref<1000000x32xf32, #tpu.memory_space<hbm>>
      tpu.wait_indirect_dma semaphore(%arg19 : memref<!tpu.dma_semaphore, #tpu.memory_space<semaphore_mem>>) src(%dma_wait3A_141 : memref<1000000x32xf32, #tpu.memory_space<hbm>>) dst(%arg11 : memref<800x32xf32, #tpu.memory_space<vmem>>)
      %mul3A_142 = arith.constant 800 : i32
      %mul3A_143 = arith.muli %add3A_138, %mul3A_142 : i32
      %add3A_144 = arith.addi %mul3A_2, %mul3A_143 : i32
      %dma_start3A_145 = arith.constant 0 : i32
      %dma_start3A_146 = tpu.memref_slice %arg4[%add3A_144, %dma_start3A_145] : memref<3276800x32xf32, #tpu.memory_space<hbm>> -> memref<800x32xf32, #tpu.memory_space<hbm>>
      %dma_start3A_147 = arith.constant 0 : i32
      %dma_start3A_148 = tpu.memref_slice %arg4[%add3A_144, %dma_start3A_147] : memref<3276800x32xf32, #tpu.memory_space<hbm>> -> memref<800x32xf32, #tpu.memory_space<hbm>>
      tpu.enqueue_dma source(%arg11 : memref<800x32xf32, #tpu.memory_space<vmem>>) target(%dma_start3A_148 : memref<800x32xf32, #tpu.memory_space<hbm>>) target_semaphore(%arg23 : memref<!tpu.dma_semaphore, #tpu.memory_space<semaphore_mem>>)
      %add3A_149 = arith.constant 4 : i32
      %add3A_150 = arith.addi %add3A_138, %add3A_149 : i32
      %lt3A_151 = arith.constant 128 : i32
      %lt3A_152 = arith.cmpi slt, %add3A_150, %lt3A_151 : i32
      %convert_element_type3A_153 = arith.extui %lt3A_152 : i1 to i32
      %cond3A_154 = arith.constant 0 : i32
      %cond3A_155 = arith.cmpi ne, %convert_element_type3A_153, %cond3A_154 : i32
      scf.if %cond3A_155 {
        %add3A_201 = arith.constant 4 : i32
        %add3A_202 = arith.addi %add3A_138, %add3A_201 : i32
        %mul3A_203 = arith.constant 800 : i32
        %mul3A_204 = arith.muli %add3A_202, %mul3A_203 : i32
        %add3A_205 = arith.addi %mul3A_2, %mul3A_204 : i32
        %dma_start3A_206 = tpu.memref_slice %arg2[%add3A_205] : memref<3276800xi32, #tpu.memory_space<hbm>> -> memref<800xi32, #tpu.memory_space<hbm>>
        %dma_start3A_207 = tpu.memref_slice %arg2[%add3A_205] : memref<3276800xi32, #tpu.memory_space<hbm>> -> memref<800xi32, #tpu.memory_space<hbm>>
        tpu.enqueue_dma source(%dma_start3A_207 : memref<800xi32, #tpu.memory_space<hbm>>) target(%arg7 : memref<800xi32, #tpu.memory_space<vmem>>) target_semaphore(%arg15 : memref<!tpu.dma_semaphore, #tpu.memory_space<semaphore_mem>>)
      } else {
      }
      %sub3A_156 = arith.constant 1 : i32
      %sub3A_157 = arith.subi %add3A_138, %sub3A_156 : i32
      %ge3A_158 = arith.constant 0 : i32
      %ge3A_159 = arith.cmpi sge, %sub3A_157, %ge3A_158 : i32
      %add3A_160 = arith.constant 4 : i32
      %add3A_161 = arith.addi %sub3A_157, %add3A_160 : i32
      %lt3A_162 = arith.constant 128 : i32
      %lt3A_163 = arith.cmpi slt, %add3A_161, %lt3A_162 : i32
      %and3A_164 = arith.andi %ge3A_159, %lt3A_163 : i1
      %convert_element_type3A_165 = arith.extui %and3A_164 : i1 to i32
      %cond3A_166 = arith.constant 0 : i32
      %cond3A_167 = arith.cmpi ne, %convert_element_type3A_165, %cond3A_166 : i32
      scf.if %cond3A_167 {
        %mul3A_201 = arith.constant 800 : i32
        %mul3A_202 = arith.muli %sub3A_157, %mul3A_201 : i32
        %add3A_203 = arith.addi %mul3A_2, %mul3A_202 : i32
        %dma_wait3A_204 = arith.constant 0 : i32
        %dma_wait3A_205 = tpu.memref_slice %arg4[%add3A_203, %dma_wait3A_204] : memref<3276800x32xf32, #tpu.memory_space<hbm>> -> memref<800x32xf32, #tpu.memory_space<hbm>>
        %dma_wait3A_206 = arith.constant 0 : i32
        %dma_wait3A_207 = tpu.memref_slice %arg4[%add3A_203, %dma_wait3A_206] : memref<3276800x32xf32, #tpu.memory_space<hbm>> -> memref<800x32xf32, #tpu.memory_space<hbm>>
        tpu.wait_dma2 semaphore(%arg22 : memref<!tpu.dma_semaphore, #tpu.memory_space<semaphore_mem>>) src(%arg10 : memref<800x32xf32, #tpu.memory_space<vmem>>) dst(%dma_wait3A_207 : memref<800x32xf32, #tpu.memory_space<hbm>>)
        %add3A_208 = arith.constant 4 : i32
        %add3A_209 = arith.addi %sub3A_157, %add3A_208 : i32
        %mul3A_210 = arith.constant 800 : i32
        %mul3A_211 = arith.muli %add3A_209, %mul3A_210 : i32
        %add3A_212 = arith.addi %mul3A_2, %mul3A_211 : i32
        %dma_wait3A_213 = tpu.memref_slice %arg2[%add3A_212] : memref<3276800xi32, #tpu.memory_space<hbm>> -> memref<800xi32, #tpu.memory_space<hbm>>
        %dma_wait3A_214 = tpu.memref_slice %arg2[%add3A_212] : memref<3276800xi32, #tpu.memory_space<hbm>> -> memref<800xi32, #tpu.memory_space<hbm>>
        tpu.wait_dma2 semaphore(%arg14 : memref<!tpu.dma_semaphore, #tpu.memory_space<semaphore_mem>>) src(%dma_wait3A_214 : memref<800xi32, #tpu.memory_space<hbm>>) dst(%arg6 : memref<800xi32, #tpu.memory_space<vmem>>)
        %dma_start3A_215 = arith.constant 0 : i32
        %dma_start3A_216 = arith.constant 0 : i32
        %dma_start3A_217 = tpu.memref_slice %arg3[%dma_start3A_215, %dma_start3A_216] : memref<1000000x32xf32, #tpu.memory_space<hbm>> -> memref<1000000x32xf32, #tpu.memory_space<hbm>>
        tpu.enqueue_indirect_dma source(%dma_start3A_217 : memref<1000000x32xf32, #tpu.memory_space<hbm>>) target(%arg10 : memref<800x32xf32, #tpu.memory_space<vmem>>) offsets(%arg6 : memref<800xi32, #tpu.memory_space<vmem>>) semaphore(%arg18 : memref<!tpu.dma_semaphore, #tpu.memory_space<semaphore_mem>>)
      } else {
      }
      %mul3A_168 = arith.constant 4 : i32
      %mul3A_169 = arith.muli %scan3A_74, %mul3A_168 : i32
      %add3A_170 = arith.constant 3 : i32
      %add3A_171 = arith.addi %mul3A_169, %add3A_170 : i32
      %dma_wait3A_172 = arith.constant 0 : i32
      %dma_wait3A_173 = arith.constant 0 : i32
      %dma_wait3A_174 = tpu.memref_slice %arg3[%dma_wait3A_172, %dma_wait3A_173] : memref<1000000x32xf32, #tpu.memory_space<hbm>> -> memref<1000000x32xf32, #tpu.memory_space<hbm>>
      tpu.wait_indirect_dma semaphore(%arg20 : memref<!tpu.dma_semaphore, #tpu.memory_space<semaphore_mem>>) src(%dma_wait3A_174 : memref<1000000x32xf32, #tpu.memory_space<hbm>>) dst(%arg12 : memref<800x32xf32, #tpu.memory_space<vmem>>)
      %mul3A_175 = arith.constant 800 : i32
      %mul3A_176 = arith.muli %add3A_171, %mul3A_175 : i32
      %add3A_177 = arith.addi %mul3A_2, %mul3A_176 : i32
      %dma_start3A_178 = arith.constant 0 : i32
      %dma_start3A_179 = tpu.memref_slice %arg4[%add3A_177, %dma_start3A_178] : memref<3276800x32xf32, #tpu.memory_space<hbm>> -> memref<800x32xf32, #tpu.memory_space<hbm>>
      %dma_start3A_180 = arith.constant 0 : i32
      %dma_start3A_181 = tpu.memref_slice %arg4[%add3A_177, %dma_start3A_180] : memref<3276800x32xf32, #tpu.memory_space<hbm>> -> memref<800x32xf32, #tpu.memory_space<hbm>>
      tpu.enqueue_dma source(%arg12 : memref<800x32xf32, #tpu.memory_space<vmem>>) target(%dma_start3A_181 : memref<800x32xf32, #tpu.memory_space<hbm>>) target_semaphore(%arg24 : memref<!tpu.dma_semaphore, #tpu.memory_space<semaphore_mem>>)
      %add3A_182 = arith.constant 4 : i32
      %add3A_183 = arith.addi %add3A_171, %add3A_182 : i32
      %lt3A_184 = arith.constant 128 : i32
      %lt3A_185 = arith.cmpi slt, %add3A_183, %lt3A_184 : i32
      %convert_element_type3A_186 = arith.extui %lt3A_185 : i1 to i32
      %cond3A_187 = arith.constant 0 : i32
      %cond3A_188 = arith.cmpi ne, %convert_element_type3A_186, %cond3A_187 : i32
      scf.if %cond3A_188 {
        %add3A_201 = arith.constant 4 : i32
        %add3A_202 = arith.addi %add3A_171, %add3A_201 : i32
        %mul3A_203 = arith.constant 800 : i32
        %mul3A_204 = arith.muli %add3A_202, %mul3A_203 : i32
        %add3A_205 = arith.addi %mul3A_2, %mul3A_204 : i32
        %dma_start3A_206 = tpu.memref_slice %arg2[%add3A_205] : memref<3276800xi32, #tpu.memory_space<hbm>> -> memref<800xi32, #tpu.memory_space<hbm>>
        %dma_start3A_207 = tpu.memref_slice %arg2[%add3A_205] : memref<3276800xi32, #tpu.memory_space<hbm>> -> memref<800xi32, #tpu.memory_space<hbm>>
        tpu.enqueue_dma source(%dma_start3A_207 : memref<800xi32, #tpu.memory_space<hbm>>) target(%arg8 : memref<800xi32, #tpu.memory_space<vmem>>) target_semaphore(%arg16 : memref<!tpu.dma_semaphore, #tpu.memory_space<semaphore_mem>>)
      } else {
      }
      %sub3A_189 = arith.constant 1 : i32
      %sub3A_190 = arith.subi %add3A_171, %sub3A_189 : i32
      %ge3A_191 = arith.constant 0 : i32
      %ge3A_192 = arith.cmpi sge, %sub3A_190, %ge3A_191 : i32
      %add3A_193 = arith.constant 4 : i32
      %add3A_194 = arith.addi %sub3A_190, %add3A_193 : i32
      %lt3A_195 = arith.constant 128 : i32
      %lt3A_196 = arith.cmpi slt, %add3A_194, %lt3A_195 : i32
      %and3A_197 = arith.andi %ge3A_192, %lt3A_196 : i1
      %convert_element_type3A_198 = arith.extui %and3A_197 : i1 to i32
      %cond3A_199 = arith.constant 0 : i32
      %cond3A_200 = arith.cmpi ne, %convert_element_type3A_198, %cond3A_199 : i32
      scf.if %cond3A_200 {
        %mul3A_201 = arith.constant 800 : i32
        %mul3A_202 = arith.muli %sub3A_190, %mul3A_201 : i32
        %add3A_203 = arith.addi %mul3A_2, %mul3A_202 : i32
        %dma_wait3A_204 = arith.constant 0 : i32
        %dma_wait3A_205 = tpu.memref_slice %arg4[%add3A_203, %dma_wait3A_204] : memref<3276800x32xf32, #tpu.memory_space<hbm>> -> memref<800x32xf32, #tpu.memory_space<hbm>>
        %dma_wait3A_206 = arith.constant 0 : i32
        %dma_wait3A_207 = tpu.memref_slice %arg4[%add3A_203, %dma_wait3A_206] : memref<3276800x32xf32, #tpu.memory_space<hbm>> -> memref<800x32xf32, #tpu.memory_space<hbm>>
        tpu.wait_dma2 semaphore(%arg23 : memref<!tpu.dma_semaphore, #tpu.memory_space<semaphore_mem>>) src(%arg11 : memref<800x32xf32, #tpu.memory_space<vmem>>) dst(%dma_wait3A_207 : memref<800x32xf32, #tpu.memory_space<hbm>>)
        %add3A_208 = arith.constant 4 : i32
        %add3A_209 = arith.addi %sub3A_190, %add3A_208 : i32
        %mul3A_210 = arith.constant 800 : i32
        %mul3A_211 = arith.muli %add3A_209, %mul3A_210 : i32
        %add3A_212 = arith.addi %mul3A_2, %mul3A_211 : i32
        %dma_wait3A_213 = tpu.memref_slice %arg2[%add3A_212] : memref<3276800xi32, #tpu.memory_space<hbm>> -> memref<800xi32, #tpu.memory_space<hbm>>
        %dma_wait3A_214 = tpu.memref_slice %arg2[%add3A_212] : memref<3276800xi32, #tpu.memory_space<hbm>> -> memref<800xi32, #tpu.memory_space<hbm>>
        tpu.wait_dma2 semaphore(%arg15 : memref<!tpu.dma_semaphore, #tpu.memory_space<semaphore_mem>>) src(%dma_wait3A_214 : memref<800xi32, #tpu.memory_space<hbm>>) dst(%arg7 : memref<800xi32, #tpu.memory_space<vmem>>)
        %dma_start3A_215 = arith.constant 0 : i32
        %dma_start3A_216 = arith.constant 0 : i32
        %dma_start3A_217 = tpu.memref_slice %arg3[%dma_start3A_215, %dma_start3A_216] : memref<1000000x32xf32, #tpu.memory_space<hbm>> -> memref<1000000x32xf32, #tpu.memory_space<hbm>>
        tpu.enqueue_indirect_dma source(%dma_start3A_217 : memref<1000000x32xf32, #tpu.memory_space<hbm>>) target(%arg11 : memref<800x32xf32, #tpu.memory_space<vmem>>) offsets(%arg7 : memref<800xi32, #tpu.memory_space<vmem>>) semaphore(%arg19 : memref<!tpu.dma_semaphore, #tpu.memory_space<semaphore_mem>>)
      } else {
      }
    }
    %scan3A_49 = arith.constant 32 : i32
    %add3A_50 = arith.constant 99200 : i32
    %add3A_51 = arith.addi %mul3A_2, %add3A_50 : i32
    %dma_wait3A_52 = arith.constant 0 : i32
    %dma_wait3A_53 = tpu.memref_slice %arg4[%add3A_51, %dma_wait3A_52] : memref<3276800x32xf32, #tpu.memory_space<hbm>> -> memref<800x32xf32, #tpu.memory_space<hbm>>
    %dma_wait3A_54 = arith.constant 0 : i32
    %dma_wait3A_55 = tpu.memref_slice %arg4[%add3A_51, %dma_wait3A_54] : memref<3276800x32xf32, #tpu.memory_space<hbm>> -> memref<800x32xf32, #tpu.memory_space<hbm>>
    tpu.wait_dma2 semaphore(%arg21 : memref<!tpu.dma_semaphore, #tpu.memory_space<semaphore_mem>>) src(%arg9 : memref<800x32xf32, #tpu.memory_space<vmem>>) dst(%dma_wait3A_55 : memref<800x32xf32, #tpu.memory_space<hbm>>)
    %add3A_56 = arith.constant 100000 : i32
    %add3A_57 = arith.addi %mul3A_2, %add3A_56 : i32
    %dma_wait3A_58 = arith.constant 0 : i32
    %dma_wait3A_59 = tpu.memref_slice %arg4[%add3A_57, %dma_wait3A_58] : memref<3276800x32xf32, #tpu.memory_space<hbm>> -> memref<800x32xf32, #tpu.memory_space<hbm>>
    %dma_wait3A_60 = arith.constant 0 : i32
    %dma_wait3A_61 = tpu.memref_slice %arg4[%add3A_57, %dma_wait3A_60] : memref<3276800x32xf32, #tpu.memory_space<hbm>> -> memref<800x32xf32, #tpu.memory_space<hbm>>
    tpu.wait_dma2 semaphore(%arg22 : memref<!tpu.dma_semaphore, #tpu.memory_space<semaphore_mem>>) src(%arg10 : memref<800x32xf32, #tpu.memory_space<vmem>>) dst(%dma_wait3A_61 : memref<800x32xf32, #tpu.memory_space<hbm>>)
    %add3A_62 = arith.constant 100800 : i32
    %add3A_63 = arith.addi %mul3A_2, %add3A_62 : i32
    %dma_wait3A_64 = arith.constant 0 : i32
    %dma_wait3A_65 = tpu.memref_slice %arg4[%add3A_63, %dma_wait3A_64] : memref<3276800x32xf32, #tpu.memory_space<hbm>> -> memref<800x32xf32, #tpu.memory_space<hbm>>
    %dma_wait3A_66 = arith.constant 0 : i32
    %dma_wait3A_67 = tpu.memref_slice %arg4[%add3A_63, %dma_wait3A_66] : memref<3276800x32xf32, #tpu.memory_space<hbm>> -> memref<800x32xf32, #tpu.memory_space<hbm>>
    tpu.wait_dma2 semaphore(%arg23 : memref<!tpu.dma_semaphore, #tpu.memory_space<semaphore_mem>>) src(%arg11 : memref<800x32xf32, #tpu.memory_space<vmem>>) dst(%dma_wait3A_67 : memref<800x32xf32, #tpu.memory_space<hbm>>)
    %add3A_68 = arith.constant 101600 : i32
    %add3A_69 = arith.addi %mul3A_2, %add3A_68 : i32
    %dma_wait3A_70 = arith.constant 0 : i32
    %dma_wait3A_71 = tpu.memref_slice %arg4[%add3A_69, %dma_wait3A_70] : memref<3276800x32xf32, #tpu.memory_space<hbm>> -> memref<800x32xf32, #tpu.memory_space<hbm>>
    %dma_wait3A_72 = arith.constant 0 : i32
    %dma_wait3A_73 = tpu.memref_slice %arg4[%add3A_69, %dma_wait3A_72] : memref<3276800x32xf32, #tpu.memory_space<hbm>> -> memref<800x32xf32, #tpu.memory_space<hbm>>
    tpu.wait_dma2 semaphore(%arg24 : memref<!tpu.dma_semaphore, #tpu.memory_space<semaphore_mem>>) src(%arg12 : memref<800x32xf32, #tpu.memory_space<vmem>>) dst(%dma_wait3A_73 : memref<800x32xf32, #tpu.memory_space<hbm>>)
    return
  }
}

</mosaic_0001>

<sc_bundles>
// kernel: kernel.3.cloned.1.call-start
scs
__scs_entry_jumppad:
0x0: {  	(pc) =	sbr.rel $0x88, $3  }
0x1: {  	(tag) =	ssettag $0x0;
	lr =	simm.s32 $0x1  }
0x2: {  	[smem:$0x3F9F] =	sst lr;
	_ =	strace $0xD0000000  }
0x3: {  	_ = 	snop  }
0x4: {  	_ = 	snop  }
0x5: {  	_ = 	snop  }
0x6: {  	_ = 	snop  }
0x7: {  	_ = 	snop  }
__scs_overlays_trampoline_lowered:
0x8: {  	[smem:$0x3FAE] =	sst s0  }
0x9: {  	[smem:$0x3FAF] =	sst s1  }
0xa: {  	[smem:$0x3FB0] =	sst s2  }
0xb: {  	[smem:$0x3FB1] =	sst s3  }
0xc: {  	[smem:$0x3FB2] =	sst s4  }
0xd: {  	[smem:$0x3FB3] =	sst s5  }
0xe: {  	[smem:$0x3FB4] =	sst s6  }
0xf: {  	[smem:$0x3FB5] =	sst s7  }
0x10: {  	[smem:$0x3FB6] =	sst s8  }
0x11: {  	[smem:$0x3FB7] =	sst s9;
	s0 =	simm.s32 @!p0 $0x0  }
0x12: {  	s1 =	sld [smem:$0x3F9D];
	s0 =	simm.s32 @p0 $0x1  }
0x13: {  	[smem:$0x3FB8] =	sst s0;
	s0 =	simm.s32 @!p1 $0x0  }
0x14: {  	s2 =	sld [smem:$0x3F9C];
	s0 =	simm.s32 @p1 $0x1  }
0x15: {  	[smem:$0x3FB9] =	sst s0;
	s0 =	simm.s32 @!p2 $0x0  }
0x16: {  	s3 =	sld [smem:$0x3FDB];
	s0 =	simm.s32 @p2 $0x1  }
0x17: {  	s4 =	simm.s32 $0x1BF5;
	[smem:$0x3FBB] =	sst s0  }
0x18: {  	s0 =	sld [smem:$0x3F9E];
	_ =	swait.ge [sflag:s4], $0x0  }
0x19: {  	s7 =	sld [smem:$0x3F9F]  }
0x1a: {  	s8 =	sadd.s32 $0xFFFFE003, lr  }
0x1b: {  	s9 =	sadd.s32 $0xFFFFFEF7, lr;
	s5 =	simm.s32 $0xFFFFFFFF;
	p2 =	slt.u32 s8, $0xFFFFF086  }
0x1c: {  	p1 =	slt.u32 s9, $0xF7A;
	s5 =	simm.s32 @!p2 $0x0  }
0x1d: {  	s5 =	simm.s32 @p1 $0x1;
	p0 =	seq.s32 s7, s2  }
0x1e: {  	s7 =	smul.u32 @!p0 $0xF7A, s2;
	p2 =	seq.s32 @!p0 s5, $0x0  }
0x1f: {  	s9 =	smul.u32 $0xF7A, s1;
	s8 =	simm.s32 @!p0 $0x1BF5;
	p2 =	por !p2, p0  }
0x20: {  	[sflag:s8] =	ssyncset.s32 @!p0 $0xFFFFF086;
	s6 =	sadd.s32 @!p0 s3, s7;
	s7 =	simm.s32 @!p0 $0x108  }
0x21: {  	s3 =	sadd.s32 s3, s9;
	s6 =	sadd.s32 @!p0 $0x88, s6;
	s7 =	simm.s32 @p2 $0x1082  }
0x22: {  	[simem:s7], [sflag:s8] =	dma.local @!p0 [hbm:s6], $0xF7A  }
0x23: {  	s9 =	sor.u32 $0xD0000000, s2;
	s6 =	simm.s32 $0x108;
	_ =	swait.ge @!p0 [sflag:s8], $0x0  }
0x24: {  	s3 =	sadd.s32 $0x88, s3;
	s6 =	simm.s32 @!p1 $0x1082;
	[sflag:s4] =	ssyncset.s32 $0xFFFFF086  }
0x25: {  	[simem:s6], [sflag:s4] =	dma.local [hbm:s3], $0xF7A  }
0x26: {  	[smem:$0x3F9F] =	sst s1;
	(tag) =	ssettag s2;
	_ =	strace s9  }
0x27: {  	s1 =	sld [smem:$0x3FAF]  }
0x28: {  	s2 =	sld [smem:$0x3FB0]  }
0x29: {  	s4 =	sld [smem:$0x3FB2]  }
0x2a: {  	p0 =	seq.s32 s5, $0x0;
	s5 =	sld [smem:$0x3FB3]  }
0x2b: {  	s6 =	sld [smem:$0x3FB4]  }
0x2c: {  	s7 =	sld [smem:$0x3FB5]  }
0x2d: {  	s3 =	simm.s32 $0x108;
	s8 =	sld [smem:$0x3FB6]  }
0x2e: {  	s3 =	simm.s32 @!p0 $0x1082;
	s9 =	sld [smem:$0x3FB7]  }
0x2f: {  	lr =	sadd.s32 s0, s3;
	s0 =	sld [smem:$0x3FAE]  }
0x30: {  	s3 =	sld [smem:$0x3FB1]  }
0x31: {  	[smem:$0x3FBA] =	sst s10  }
0x32: {  	s10 =	sld [smem:$0x3FB8];
	_ =	sdelay $0x3  }
0x33: {  	p0 =	seq.s32 s10, $0x1;
	s10 =	sld [smem:$0x3FBA];
	_ =	sdelay $0x3  }
0x34: {  	[smem:$0x3FBA] =	sst s10  }
0x35: {  	s10 =	sld [smem:$0x3FB9];
	_ =	sdelay $0x3  }
0x36: {  	p1 =	seq.s32 s10, $0x1;
	s10 =	sld [smem:$0x3FBA];
	_ =	sdelay $0x3  }
0x37: {  	[smem:$0x3FBA] =	sst s10  }
0x38: {  	s10 =	sld [smem:$0x3FBB]  }
0x39: {  	_ = 	snop;
	(pc) =	sbr.ind lr, $3  }
0x3a: {  	_ = 	snop  }
0x3b: {  	_ = 	snop  }
0x3c: {  	p2 =	seq.s32 s10, $0x1;
	s10 =	sld [smem:$0x3FBA]  }
0x3d: {  	_ =	shalt  }
0x3e: {  	_ =	shalt  }
0x3f: {  	_ =	shalt  }
0x40: {  	_ =	shalt  }
0x41: {  	_ =	shalt  }
0x42: {  	_ =	shalt  }
0x43: {  	_ =	shalt  }
0x44: {  	_ =	shalt  }
0x45: {  	_ =	shalt  }
0x46: {  	_ =	shalt  }
0x47: {  	_ =	shalt  }
0x48: {  	_ =	shalt  }
0x49: {  	_ =	shalt  }
0x4a: {  	_ =	shalt  }
0x4b: {  	_ =	shalt  }
0x4c: {  	_ =	shalt  }
0x4d: {  	_ =	shalt  }
0x4e: {  	_ =	shalt  }
0x4f: {  	_ =	shalt  }
0x50: {  	_ =	shalt  }
0x51: {  	_ =	shalt  }
0x52: {  	_ =	shalt  }
0x53: {  	_ =	shalt  }
0x54: {  	_ =	shalt  }
0x55: {  	_ =	shalt  }
0x56: {  	_ =	shalt  }
0x57: {  	_ =	shalt  }
0x58: {  	_ =	shalt  }
0x59: {  	_ =	shalt  }
0x5a: {  	_ =	shalt  }
0x5b: {  	_ =	shalt  }
0x5c: {  	_ =	shalt  }
0x5d: {  	_ =	shalt  }
0x5e: {  	_ =	shalt  }
0x5f: {  	_ =	shalt  }
0x60: {  	_ =	shalt  }
0x61: {  	_ =	shalt  }
0x62: {  	_ =	shalt  }
0x63: {  	_ =	shalt  }
0x64: {  	_ =	shalt  }
0x65: {  	_ =	shalt  }
0x66: {  	_ =	shalt  }
0x67: {  	_ =	shalt  }
0x68: {  	_ =	shalt  }
0x69: {  	_ =	shalt  }
0x6a: {  	_ =	shalt  }
0x6b: {  	_ =	shalt  }
0x6c: {  	_ =	shalt  }
0x6d: {  	_ =	shalt  }
0x6e: {  	_ =	shalt  }
0x6f: {  	_ =	shalt  }
0x70: {  	_ =	shalt  }
0x71: {  	_ =	shalt  }
0x72: {  	_ =	shalt  }
0x73: {  	_ =	shalt  }
0x74: {  	_ =	shalt  }
0x75: {  	_ =	shalt  }
0x76: {  	_ =	shalt  }
0x77: {  	_ =	shalt  }
0x78: {  	_ =	shalt  }
0x79: {  	_ =	shalt  }
0x7a: {  	_ =	shalt  }
0x7b: {  	_ =	shalt  }
0x7c: {  	_ =	shalt  }
0x7d: {  	_ =	shalt  }
0x7e: {  	_ =	shalt  }
0x7f: {  	_ =	shalt  }
0x80: {  	_ =	shalt  }
0x81: {  	_ =	shalt  }
0x82: {  	_ =	shalt  }
0x83: {  	_ =	shalt  }
0x84: {  	_ =	shalt  }
0x85: {  	_ =	shalt  }
0x86: {  	_ =	shalt  }
0x87: {  	_ =	shalt  }
.Lfunc_end0:
.L_simem_size_0:
called_computation.1_lowered:
.L_overlay_start_0:
0x88: {  	s2 =	sld [smem:$0x3FD9]  }
0x89: {  	s3 =	sld [smem:$0x3FFE];
	_ =	sdelay $0x1  }
0x8a: {  	s1 =	srdreg.scid  }
0x8b: {  	s0 =	sand.u32 $0x1, s1  }
0x8c: {  	s17 =	sshll.u32 s0, $0xA;
	s2 =	sadd.s32 s3, s2  }
0x8d: {  	s2 =	sadd.s32 s2, s17  }
0x8e: {  	[smem:$0x3FC6] =	sst s2  }
0x8f: {  	_ = 	snop  }
0x90: {  	s2 =	sld [smem:$0x3FD0];
	(tm) =	ssettm $0x1  }
0x91: {  	s18 =	sld [smem:$0x3FFB];
	_ =	sdelay $0x3  }
0x92: {  	_ =	strace s18  }
0x93: {  	s3 =	sld [smem:$0x3FFC];
	_ =	sdelay $0x3  }
0x94: {  	_ =	strace s3  }
0x95: {  	s3 =	sld [smem:$0x3FFD];
	_ =	sdelay $0x3  }
0x96: {  	_ =	strace s3  }
0x97: {  	_ =	strace $0x8FFFFFFF  }
0x98: {  	s19 =	sld [smem:$0x3FDB];
	_ =	sdelay $0x1  }
0x99: {  	s4 =	simm.s32 $_scs_section_size  }
0x9a: {  	s5 =	simm.s32 $_size__tile_overlayer_lowered;
	s6 =	simm.s32 $_tile_overlayer_lowered  }
0x9b: {  	s22 =	simm.s32 $0x1BFF;
	s21 =	sshll.u32 s6, $0x1;
	s3 =	sadd.s32 s4, s19  }
0x9c: {  	s7 =	simm.s32 $0x0;
	s20 =	sshll.u32 s5, $0x1;
	s5 =	sadd.s32 s21, s3  }
0x9d: {  	[timem:s7], [sflag:s22] =	dma.local [hbm:s5], s20  }
0x9e: {  	_ =	swait.ge [sflag:s22], s20  }
0x9f: {  	s4 =	ssub.s32 $0x0, s20;
	[sflag:s22] =	ssyncset.done $0x0  }
0xa0: {  	[sflag:s22] =	ssyncadd.s32 s4;
	_ =	sdelay $0x1  }
0xa1: {  	s23 =	simm.s32 $0x1B8B  }
0xa2: {  	_ =	swait.ge [sflag:s23], $0x1  }
0xa3: {  	[sflag:s23] =	ssyncset.done $0x0  }
0xa4: {  	s25 =	simm.s32 $0x1B8E;
	s24 =	sld [smem:$0x3FFE];
	[sflag:s23] =	ssyncadd.s32 $0xFFFFFFFF  }
0xa5: {  	s26 =	simm.s32 $execute0_lowered;
	[smem:$0x3FD2] =	sst s25  }
0xa6: {  	s5 =	sshll.u32 s26, $0x1;
	_ =	strace $0x80000046;
	[dreg:$0x1] =	wrdreg $0xFFFFFFFF  }
0xa7: {  	s28 =	simm.s32 $_size_execute0_lowered;
	s3 =	sadd.s32 s3, s5;
	[dreg:$0x0] =	wrdreg $0x0  }
0xa8: {  	s5 =	sshll.u32 s28, $0x1;
	[dreg:$0x2] =	wrdreg s3  }
0xa9: {  	[dreg:$0x3] =	wrdreg s5  }
0xaa: {  	[dreg:$0x4] =	wrdreg $0xC0  }
0xab: {  	_ =	task [dreg:s7], $0x5FFFF  }
0xac: {  	[dreg:$0x1] =	wrdreg $0xFFFFFFFF  }
0xad: {  	[dreg:$0x0] =	wrdreg $0x60  }
0xae: {  	[dreg:$0x2] =	wrdreg s24  }
0xaf: {  	[dreg:$0x3] =	wrdreg s2  }
0xb0: {  	[dreg:$0x4] =	wrdreg $0x9  }
0xb1: {  	_ =	task.clear_ibuf [dreg:s7], $0x5FFFF;
	_ =	strace $0x90000046  }
0xb2: {  	s29 =	simm.s32 $0x9;
	_ =	strace $0x80000048  }
0xb3: {  	_ =	swait.ge [sflag:s29], $0x1  }
0xb4: {  	[sflag:s29] =	ssyncadd.s32 $0xFFFFFFFF  }
0xb5: {  	_ =	strace $0x90000048  }
0xb6: {  	_ =	sfence  }
0xb7: {  	s30 =	sld [smem:$0x0];
	_ =	sdelay $0x2  }
0xb8: {  	s31 =	sshll.u32 s1, $0xD;
	s1 =	sshrl.u32 s1, $0x2  }
0xb9: {  	s3 =	sand.u32 $0x4000, s31;
	s1 =	sadd.s32 s1, s30  }
0xba: {  	s0 =	sor.u32 s3, s0;
	s1 =	sshll.u32 s1, $0x11  }
0xbb: {  	s0 =	sor.u32 s1, s0  }
0xbc: {  	s0 =	sadd.s32 $0x8F2B, s0  }
0xbd: {  	[sflag:s0] =	ssyncadd.remote.s32 $0x1  }
0xbe: {  	_ =	sfence.sel $0xFFFF  }
0xbf: {  	[dreg:$0x0] =	wrdreg $0xFFFFFFFF;
	(pc) =	sbr.abs _section_cstart, $3  }
0xc0: {  	[dreg:$0x1] =	wrdreg $0xFFFFFFFF  }
0xc1: {  	_ =	task.clear_ibuf [dreg:s7], $0x2FFFF;
	_ =	strace $0x9FFFFFFF  }
0xc2: {  	(tm) =	ssettm $0x7FFFFFFF  }
0xc3: {  	_ =	shalt  }
tec
execute0_lowered:
.L_overlay_start_1:
0x0: {  	(tag) =	ssettag $0x1  }
0x1: {  	s0 =	rddreg [dreg:$0x0]  }
0x2: {  	s1 =	srdreg.scid;
	s10 =	stileid.u32  }
0x3: {  	s3 =	rddreg [dreg:$0x1];
	s2 =	simm.s32 $0x0;
	s28 =	simm.s32 $0x13880  }
0x4: {  	s29 =	simm.s32 $0x5;
	s30 =	simm.s32 $0x6;
	s7 =	smul.u32 $0x32000, s10  }
0x5: {  	s31 =	simm.s32 $0x7;
	s1 =	sand.u32 $0x1, s1;
	s23 =	smul.u32 $0xC8000, s10  }
0x6: {  	s4 =	sshll.u32 s10, $0x1;
	[smem:$0x7FF] =	sst s2;
	s9 =	smul.u32 $0x19000, s1  }
0x7: {  	s4 =	sor.u32 s1, s4;
	s6 =	ssub.s32 $0x2, s1;
	s1 =	smul.u32 $0x64000, s1  }
0x8: {  	s5 =	sadd.s32 $0x800, s0;
	_ =	strace $0x80000047;
	s4 =	smul.u32 $0x19000, s4  }
0x9: {  	s8 =	sshrl.u32 s6, $0x1;
	s26 =	sadd.s32 s23, s3;
	s23 =	simm.s32 $0x7080  }
0xa: {  	s12 =	ssub.s32 s6, s8;
	s16 =	sadd.s32 s9, s7;
	s8 =	simm.s32 $0x0  }
0xb: {  	s4 =	sshrl.u32 s4, $0x3;
	s17 =	sadd.s32 $0x15E0, s16;
	s7 =	sshll.u32 s16, $0x2  }
0xc: {  	s18 =	sadd.s32 $0x12C0, s16;
	s22 =	sor.u32 $0xFA0, s16;
	s6 =	sor.u32 $0xC80, s16  }
0xd: {  	s11 =	sadd.s32 s5, s4;
	s4 =	sadd.s32 $0xFA6C00, s0;
	s0 =	smax.u32 s12, $0x1  }
0xe: {  	s7 =	sadd.s32 s7, s3;
	s20 =	sshrl.u32 s18, $0x3;
	s24 =	sshrl.u32 s6, $0x3  }
0xf: {  	s18 =	simm.s32 $0x640;
	s6 =	simm.s32 $0xB;
	[dreg:$0x3] =	wrdreg s11  }
0x10: {  	s13 =	sadd.s32 $0x64, s11;
	s14 =	sadd.s32 $0xC8, s11;
	[dreg:$0x7] =	wrdreg s0  }
0x11: {  	s15 =	sadd.s32 $0x12C, s11;
	s0 =	sshrl.u32 s17, $0x3;
	[dreg:$0x4] =	wrdreg s13  }
0x12: {  	s19 =	sadd.s32 $0x2580, s7;
	s11 =	sadd.s32 s20, s5;
	[dreg:$0x5] =	wrdreg s14  }
0x13: {  	s21 =	sadd.s32 $0x1900, s7;
	s25 =	sadd.s32 $0xC80, s7;
	[dreg:$0x6] =	wrdreg s15  }
0x14: {  	s17 =	simm.s32 $0x320;
	s7 =	simm.s32 $0xC;
	[dreg:$0x8] =	wrdreg s19  }
.Ltmp0:
0x15: {  	s9 =	sadd.s32 s0, s5;
	[dreg:$0x9] =	wrdreg s21;
	(pc) =	sbr.rel .LBB2_1-.Ltmp0, $4  }
0x16: {  	s0 =	sshrl.u32 s22, $0x3;
	[dreg:$0xa] =	wrdreg s25;
	s15 =	sadd.s32 s24, s5  }
0x17: {  	s19 =	simm.s32 $0x960;
	s21 =	simm.s32 $0xC80;
	s24 =	simm.s32 $0x3  }
0x18: {  	s25 =	simm.s32 $0xD480;
	s13 =	sadd.s32 s0, s5;
	s0 =	sadd.s32 s1, s26  }
0x19: {  	s26 =	simm.s32 $0x4;
	s1 =	simm.s32 $0x8;
	[dreg:$0xb] =	wrdreg s0  }
.LBB2_4:
0x1a: {  	s0 =	simm.s32 $0x9  }
0x1b: {  	_ =	swait.ge [sflag:s0], $0x6400  }
0x1c: {  	[sflag:s0] =	ssyncset.done $0x0  }
0x1d: {  	s20 =	simm.s32 $0xA;
	[sflag:s0] =	ssyncadd.s32 $0xFFFF9C00  }
0x1e: {  	_ =	swait.ge [sflag:s20], $0x6400  }
0x1f: {  	[sflag:s20] =	ssyncset.done $0x0  }
0x20: {  	[sflag:s20] =	ssyncadd.s32 $0xFFFF9C00  }
0x21: {  	_ =	swait.ge [sflag:s6], $0x6400  }
0x22: {  	[sflag:s6] =	ssyncset.done $0x0  }
0x23: {  	[sflag:s6] =	ssyncadd.s32 $0xFFFF9C00  }
0x24: {  	_ =	swait.ge [sflag:s7], $0x6400  }
0x25: {  	s8 =	sadd.s32 $0x1, s8;
	s22 =	rddreg [dreg:$0x7]  }
0x26: {  	p0 =	sne.s32 s8, s22  }
.Ltmp1:
0x27: {  	_ = 	snop;
	(pc) =	sbr.rel @!p0 .LBB2_5-.Ltmp1, $3  }
0x28: {  	_ =	sdelay $0x1  }
0x29: {  	[sflag:s7] =	ssyncset.done $0x0  }
0x2a: {  	[sflag:s7] =	ssyncadd.s32 $0xFFFF9C00  }
.LBB2_1:
0x2b: {  	s0 =	rddreg [dreg:$0x3]  }
0x2c: {  	[tilespmem:s2], [sflag:$0x1] =	stream.linear.gather [hbm4b:s0+s2], $0x320, $0x38;
	[tilespmem:$0x19C80] =	vst v63  }
0x2d: {  	s12 =	rddreg [dreg:$0x4]  }
0x2e: {  	[tilespmem:s17], [sflag:$0x2] =	stream.linear.gather [hbm4b:s12+s2], $0x320, $0x38;
	[tilespmem:$0x19C80] =	vst v63  }
0x2f: {  	s14 =	rddreg [dreg:$0x5]  }
0x30: {  	[tilespmem:s18], [sflag:$0x3] =	stream.linear.gather [hbm4b:s14+s2], $0x320, $0x38;
	[tilespmem:$0x19C80] =	vst v63  }
0x31: {  	s16 =	rddreg [dreg:$0x6];
	s20 =	simm.s32 $0x1  }
0x32: {  	[tilespmem:s19], [sflag:$0x4] =	stream.linear.gather [hbm4b:s16+s2], $0x320, $0x38;
	[tilespmem:$0x19C80] =	vst v63  }
0x33: {  	_ =	swait.ge [sflag:s20], $0x320  }
0x34: {  	[sflag:s20] =	ssyncset.done $0x0  }
0x35: {  	s22 =	simm.s32 $0x2;
	[sflag:s20] =	ssyncadd.s32 $0xFFFFFCE0  }
0x36: {  	[tilespmem:s21], [sflag:$0x5] =	stream.indirect.gather [hbm4b:s4+s17], $0x20, s2, s17, $0xb8;
	[tilespmem:$0x19C80] =	vst v63  }
0x37: {  	_ =	swait.ge [sflag:s22], $0x320  }
0x38: {  	[sflag:s22] =	ssyncset.done $0x0  }
0x39: {  	[sflag:s22] =	ssyncadd.s32 $0xFFFFFCE0  }
0x3a: {  	[tilespmem:s23], [sflag:$0x6] =	stream.indirect.gather [hbm4b:s4+s17], $0x20, s17, s17, $0xb8;
	[tilespmem:$0x19C80] =	vst v63  }
0x3b: {  	_ =	swait.ge [sflag:s24], $0x320  }
0x3c: {  	[sflag:s24] =	ssyncset.done $0x0  }
0x3d: {  	[sflag:s24] =	ssyncadd.s32 $0xFFFFFCE0  }
0x3e: {  	[tilespmem:s25], [sflag:$0x7] =	stream.indirect.gather [hbm4b:s4+s17], $0x20, s18, s17, $0xb8;
	[tilespmem:$0x19C80] =	vst v63  }
0x3f: {  	_ =	swait.ge [sflag:s26], $0x320  }
0x40: {  	s16 =	rddreg [dreg:$0xb]  }
0x41: {  	s14 =	rddreg [dreg:$0xa]  }
0x42: {  	[sflag:s26] =	ssyncset.done $0x0;
	s12 =	rddreg [dreg:$0x9]  }
0x43: {  	s3 =	simm.s32 $0x0;
	s10 =	rddreg [dreg:$0x8];
	[sflag:s26] =	ssyncadd.s32 $0xFFFFFCE0  }
0x44: {  	[tilespmem:s28], [sflag:$0x8] =	stream.indirect.gather [hbm4b:s4+s17], $0x20, s19, s17, $0xb8;
	[tilespmem:$0x19C80] =	vst v63  }
.LBB2_2:
0x45: {  	_ =	swait.ge [sflag:s29], $0x6400  }
0x46: {  	p0 =	seq.s32 s3, $0x3070;
	[sflag:s29] =	ssyncset.done $0x0  }
0x47: {  	p1 =	seq.s32 @!p0 s3, $0x0;
	[sflag:s29] =	ssyncadd.s32 $0xFFFF9C00  }
0x48: {  	[hbm4b:s16+s2] =	stream.linear.scatter [tilespmem:s21], [sflag:$0x9], $0x6400, $0x38;
	[tilespmem:$0x19C80] =	vst v63  }
0x49: {  	s22 =	sadd.s32 @!p0 s3, s15;
	s20 =	simm.s32 @!p0 $0x0;
	p1 =	por p0, !p1  }
0x4a: {  	[tilespmem:s20], [sflag:$0x1] =	stream.linear.gather @!p0 [hbm4b:s22+s20], $0x320, $0x38;
	[tilespmem:$0x19C80] =	vst v63  }
0x4b: {  	_ =	swait.ge @p1 [sflag:s7], $0x6400  }
0x4c: {  	[sflag:s7] =	ssyncset.done @p1 $0x0  }
0x4d: {  	[sflag:s7] =	ssyncadd.s32 @p1 $0xFFFF9C00  }
0x4e: {  	_ =	swait.ge @p1 [sflag:s26], $0x320  }
0x4f: {  	[sflag:s26] =	ssyncset.done @p1 $0x0  }
0x50: {  	[sflag:s26] =	ssyncadd.s32 @p1 $0xFFFFFCE0  }
0x51: {  	[tilespmem:s28], [sflag:$0x8] =	stream.indirect.gather @p1 [hbm4b:s4+s17], $0x20, s19, s17, $0xb8;
	[tilespmem:$0x19C80] =	vst v63  }
0x52: {  	_ =	swait.ge [sflag:s30], $0x6400  }
0x53: {  	[sflag:s30] =	ssyncset.done $0x0  }
0x54: {  	[sflag:s30] =	ssyncadd.s32 $0xFFFF9C00  }
0x55: {  	[hbm4b:s14+s2] =	stream.linear.scatter [tilespmem:s23], [sflag:$0xA], $0x6400, $0x38;
	[tilespmem:$0x19C80] =	vst v63  }
0x56: {  	s0 =	simm.s32 @!p0 $0x320;
	s22 =	sadd.s32 @!p0 s3, s13  }
0x57: {  	[tilespmem:s0], [sflag:$0x2] =	stream.linear.gather @!p0 [hbm4b:s22+s20], $0x320, $0x38;
	[tilespmem:$0x19C80] =	vst v63  }
0x58: {  	s22 =	simm.s32 @!p0 $0x9  }
0x59: {  	_ =	swait.ge @!p0 [sflag:s22], $0x6400  }
0x5a: {  	[sflag:s22] =	ssyncset.done @!p0 $0x0  }
0x5b: {  	[sflag:s22] =	ssyncadd.s32 @!p0 $0xFFFF9C00;
	s22 =	simm.s32 @!p0 $0x1  }
0x5c: {  	_ =	swait.ge @!p0 [sflag:s22], $0x320  }
0x5d: {  	[sflag:s22] =	ssyncset.done @!p0 $0x0  }
0x5e: {  	[sflag:s22] =	ssyncadd.s32 @!p0 $0xFFFFFCE0;
	s22 =	simm.s32 @!p0 $0xC80  }
0x5f: {  	[tilespmem:s22], [sflag:$0x5] =	stream.indirect.gather @!p0 [hbm4b:s4+s0], $0x20, s20, s0, $0xb8;
	[tilespmem:$0x19C80] =	vst v63  }
0x60: {  	_ =	swait.ge [sflag:s31], $0x6400  }
0x61: {  	[sflag:s31] =	ssyncset.done $0x0  }
0x62: {  	[sflag:s31] =	ssyncadd.s32 $0xFFFF9C00  }
0x63: {  	[hbm4b:s12+s2] =	stream.linear.scatter [tilespmem:s25], [sflag:$0xB], $0x6400, $0x38;
	[tilespmem:$0x19C80] =	vst v63  }
0x64: {  	s5 =	simm.s32 @!p0 $0x640;
	s22 =	sadd.s32 @!p0 s3, s11  }
0x65: {  	[tilespmem:s5], [sflag:$0x3] =	stream.linear.gather @!p0 [hbm4b:s22+s20], $0x320, $0x38;
	[tilespmem:$0x19C80] =	vst v63  }
0x66: {  	s5 =	simm.s32 @!p0 $0xA  }
0x67: {  	_ =	swait.ge @!p0 [sflag:s5], $0x6400  }
0x68: {  	[sflag:s5] =	ssyncset.done @!p0 $0x0  }
0x69: {  	[sflag:s5] =	ssyncadd.s32 @!p0 $0xFFFF9C00;
	s5 =	simm.s32 @!p0 $0x2  }
0x6a: {  	_ =	swait.ge @!p0 [sflag:s5], $0x320  }
0x6b: {  	[sflag:s5] =	ssyncset.done @!p0 $0x0  }
0x6c: {  	[sflag:s5] =	ssyncadd.s32 @!p0 $0xFFFFFCE0;
	s5 =	simm.s32 @!p0 $0x7080  }
0x6d: {  	[tilespmem:s5], [sflag:$0x6] =	stream.indirect.gather @!p0 [hbm4b:s4+s0], $0x20, s0, s0, $0xb8;
	[tilespmem:$0x19C80] =	vst v63  }
.Ltmp2:
0x6e: {  	_ = 	snop;
	(pc) =	sbr.rel @p0 .LBB2_4-.Ltmp2, $4  }
0x6f: {  	_ =	swait.ge [sflag:s1], $0x6400  }
0x70: {  	[sflag:s1] =	ssyncset.done $0x0  }
0x71: {  	[sflag:s1] =	ssyncadd.s32 $0xFFFF9C00  }
0x72: {  	[hbm4b:s10+s2] =	stream.linear.scatter [tilespmem:s28], [sflag:$0xC], $0x6400, $0x38;
	[tilespmem:$0x19C80] =	vst v63  }
0x73: {  	s0 =	sadd.s32 s3, s9  }
0x74: {  	[tilespmem:s19], [sflag:$0x4] =	stream.linear.gather [hbm4b:s0+s2], $0x320, $0x38;
	[tilespmem:$0x19C80] =	vst v63  }
0x75: {  	_ =	swait.ge [sflag:s6], $0x6400  }
0x76: {  	[sflag:s6] =	ssyncset.done $0x0  }
.Ltmp3:
0x77: {  	[sflag:s6] =	ssyncadd.s32 $0xFFFF9C00;
	(pc) =	sbr.rel .LBB2_2-.Ltmp3, $4  }
0x78: {  	s3 =	sadd.s32 $0x190, s3;
	_ =	swait.ge [sflag:s24], $0x320  }
0x79: {  	s10 =	sadd.s32 $0x3200, s10;
	s12 =	sadd.s32 $0x3200, s12;
	[sflag:s24] =	ssyncset.done $0x0  }
0x7a: {  	s14 =	sadd.s32 $0x3200, s14;
	s16 =	sadd.s32 $0x3200, s16;
	[sflag:s24] =	ssyncadd.s32 $0xFFFFFCE0  }
0x7b: {  	[tilespmem:s25], [sflag:$0x7] =	stream.indirect.gather [hbm4b:s4+s17], $0x20, s18, s17, $0xb8;
	[tilespmem:$0x19C80] =	vst v63  }
.LBB2_5:
0x7c: {  	_ =	sfence.sel $0x180000  }
0x7d: {  	[bflag:$0x0] =	sbarrier.arrive $0xFFFF  }
0x7e: {  	_ =	strace $0x90000047  }
0x7f: {  	s0 =	stileid.u32;
	[bflag:$0x2] =	sbarrier.arrive $0xFFFF  }
0x80: {  	p0 =	sne.s32 s0, $0x0;
	s0 =	rddreg [dreg:$0x2]  }
0x81: {  	s0 =	sadd.s32 @!p0 $0x100000, s0  }
0x82: {  	[sflag:s0] =	ssyncadd.tile.s32 @!p0 $0x1;
	_ =	shalt  }
.Lfunc_end2:
_tile_overlayer_lowered:
.L_overlay_start_2:
0x83: {  	(tag) =	ssettag $0x2  }
0x84: {  	s0 =	rddreg [dreg:$0x0];
	s2 =	stileid.u32  }
0x85: {  	s1 =	rddreg [dreg:$0x1];
	p0 =	sne.s32 s2, $0x0  }
0x86: {  	s3 =	rddreg [dreg:$0x2];
	[bflag:$0x3] =	sbarrier.arrive $0xFFFF;
	s2 =	simm.s32 @!p0 $0x1C0D  }
0x87: {  	[timem:s3], [sflag:s2] =	dma.local @!p0 [hbm:s0], s1  }
0x88: {  	s0 =	simm.s32 @!p0 $0xD  }
0x89: {  	_ =	swait.ge @!p0 [sflag:s0], s1  }
0x8a: {  	s1 =	ssub.s32 @!p0 $0x0, s1;
	[sflag:s0] =	ssyncset.done @!p0 $0x0  }
0x8b: {  	[sflag:s0] =	ssyncadd.s32 @!p0 s1  }
0x8c: {  	[bflag:$0x3] =	sbarrier.arrive $0xFFFF  }
0x8d: {  	_ =	shalt  }

// kernel: sparse-core-data-format-call.cloned.1.call-start
scs
called_computation_lowered:
.L_overlay_start_0:
0x0: {  	s2 =	sld [smem:$0x3FD9]  }
0x1: {  	s3 =	sld [smem:$0x3FFE];
	_ =	sdelay $0x1  }
0x2: {  	s1 =	srdreg.scid  }
0x3: {  	s0 =	sand.u32 $0x1, s1  }
0x4: {  	s18 =	sshll.u32 s0, $0xA;
	s2 =	sadd.s32 s3, s2  }
0x5: {  	s2 =	sadd.s32 s2, s18  }
0x6: {  	[smem:$0x3FC6] =	sst s2  }
0x7: {  	_ = 	snop  }
0x8: {  	s2 =	sld [smem:$0x3FD0];
	(tm) =	ssettm $0x1  }
0x9: {  	s19 =	sld [smem:$0x3FFB];
	_ =	sdelay $0x3  }
0xa: {  	_ =	strace s19  }
0xb: {  	s3 =	sld [smem:$0x3FFC];
	_ =	sdelay $0x3  }
0xc: {  	_ =	strace s3  }
0xd: {  	s3 =	sld [smem:$0x3FFD];
	_ =	sdelay $0x3  }
0xe: {  	_ =	strace s3  }
0xf: {  	_ =	strace $0x8FFFFFFF  }
0x10: {  	s20 =	sld [smem:$0x3FDB];
	_ =	sdelay $0x1  }
0x11: {  	s4 =	simm.s32 $_scs_section_size  }
0x12: {  	s5 =	simm.s32 $_size__tile_overlayer_lowered;
	s6 =	simm.s32 $_tile_overlayer_lowered  }
0x13: {  	s23 =	simm.s32 $0x1BFF;
	s22 =	sshll.u32 s6, $0x1;
	s3 =	sadd.s32 s4, s20  }
0x14: {  	s7 =	simm.s32 $0x0;
	s21 =	sshll.u32 s5, $0x1;
	s5 =	sadd.s32 s22, s3  }
0x15: {  	[timem:s7], [sflag:s23] =	dma.local [hbm:s5], s21  }
0x16: {  	_ =	swait.ge [sflag:s23], s21  }
0x17: {  	s4 =	ssub.s32 $0x0, s21;
	[sflag:s23] =	ssyncset.done $0x0  }
0x18: {  	[sflag:s23] =	ssyncadd.s32 s4;
	_ =	sdelay $0x1  }
0x19: {  	s24 =	simm.s32 $0x1B8B  }
0x1a: {  	_ =	swait.ge [sflag:s24], $0x1  }
0x1b: {  	[sflag:s24] =	ssyncset.done $0x0  }
0x1c: {  	s26 =	simm.s32 $0x1B8E;
	s25 =	sld [smem:$0x3FFE];
	[sflag:s24] =	ssyncadd.s32 $0xFFFFFFFF  }
0x1d: {  	s27 =	simm.s32 $execute0_lowered;
	[smem:$0x3FD2] =	sst s26  }
0x1e: {  	s5 =	sshll.u32 s27, $0x1;
	_ =	strace $0x80000049;
	[dreg:$0x1] =	wrdreg $0xFFFFFFFF  }
0x1f: {  	s28 =	simm.s32 $_size_execute0_lowered;
	s3 =	sadd.s32 s3, s5;
	[dreg:$0x0] =	wrdreg $0x0  }
0x20: {  	s5 =	sshll.u32 s28, $0x1;
	[dreg:$0x2] =	wrdreg s3  }
0x21: {  	[dreg:$0x3] =	wrdreg s5  }
0x22: {  	[dreg:$0x4] =	wrdreg $0xC0  }
0x23: {  	_ =	task [dreg:s7], $0x5FFFF  }
0x24: {  	[dreg:$0x1] =	wrdreg $0xFFFFFFFF  }
0x25: {  	[dreg:$0x0] =	wrdreg $0x60  }
0x26: {  	[dreg:$0x2] =	wrdreg s25  }
0x27: {  	[dreg:$0x3] =	wrdreg s2  }
0x28: {  	[dreg:$0x4] =	wrdreg $0x9  }
0x29: {  	_ =	task.clear_ibuf [dreg:s7], $0x5FFFF;
	_ =	strace $0x90000049  }
0x2a: {  	s29 =	simm.s32 $0x9;
	_ =	strace $0x8000004B  }
0x2b: {  	_ =	swait.ge [sflag:s29], $0x1  }
0x2c: {  	[sflag:s29] =	ssyncadd.s32 $0xFFFFFFFF  }
0x2d: {  	_ =	strace $0x9000004B  }
0x2e: {  	_ =	sfence  }
0x2f: {  	s30 =	sld [smem:$0x0];
	_ =	sdelay $0x2  }
0x30: {  	s31 =	sshll.u32 s1, $0xD;
	s1 =	sshrl.u32 s1, $0x2  }
0x31: {  	s3 =	sand.u32 $0x4000, s31;
	s1 =	sadd.s32 s1, s30  }
0x32: {  	s0 =	sor.u32 s3, s0;
	s1 =	sshll.u32 s1, $0x11  }
0x33: {  	s0 =	sor.u32 s1, s0  }
0x34: {  	s0 =	sadd.s32 $0x8F2B, s0  }
0x35: {  	[sflag:s0] =	ssyncadd.remote.s32 $0x1  }
0x36: {  	_ =	sfence.sel $0xFFFF  }
0x37: {  	[dreg:$0x0] =	wrdreg $0xFFFFFFFF;
	(pc) =	sbr.abs _section_cstart, $3  }
0x38: {  	[dreg:$0x1] =	wrdreg $0xFFFFFFFF  }
0x39: {  	_ =	task.clear_ibuf [dreg:s7], $0x2FFFF;
	_ =	strace $0x9FFFFFFF  }
0x3a: {  	(tm) =	ssettm $0x7FFFFFFF  }
0x3b: {  	_ =	shalt  }
tec
execute0_lowered:
.L_overlay_start_1:
0x0: {  	(tag) =	ssettag $0x1  }
0x1: {  	s0 =	srdreg.scid  }
0x2: {  	s1 =	sshll.u32 s0, $0x4  }
0x3: {  	s0 =	stileid.u32;
	s1 =	sand.u32 $0x10, s1  }
0x4: {  	s1 =	sor.u32 s0, s1  }
0x5: {  	s6 =	rddreg [dreg:$0x0];
	s4 =	simm.s32 $0x1;
	s2 =	sshll.u32 s1, $0x7  }
0x6: {  	s7 =	simm.s32 $0x2;
	s12 =	simm.s32 $0x0;
	s1 =	ssub.s32 $0x4000, s2  }
0x7: {  	s8 =	simm.s32 $0x20000;
	s13 =	simm.s32 $0x0;
	s3 =	sand.u32 $0xF80, s1  }
0x8: {  	s9 =	simm.s32 $0x0;
	s5 =	sshrl.u32 s1, $0xC;
	p0 =	sne.s32 s3, $0x0  }
.Ltmp0:
0x9: {  	s1 =	rddreg [dreg:$0x2];
	s4 =	simm.s32 @!p0 $0x0;
	(pc) =	sbr.rel .LBB1_1-.Ltmp0, $4  }
0xa: {  	s11 =	simm.s32 $0x0;
	s3 =	rddreg [dreg:$0x1];
	s5 =	sadd.s32 s4, s5  }
0xb: {  	_ =	strace $0x8000004A;
	s4 =	simm.s32 $0x1;
	s5 =	smul.u32 $0xC8, s5  }
0xc: {  	s6 =	sadd.s32 $0x800, s6;
	s10 =	smov.u32 s2;
	[sflag:s4] =	ssyncpa.u1 $0x0  }
0xd: {  	p0 =	por $0x0, $0x0;
	[sflag:s7] =	ssyncpa.u1 $0x0;
	s7 =	sor.u32 $0x1, s5  }
.LBB1_4:
0xe: {  	s16 =	sshll.u32 s13, $0x3;
	s17 =	sand.u32 $0x78, s13  }
0xf: {  	s30 =	sand.u32 $0xF800, s13;
	s12 =	sshll.u32 s12, $0x10;
	s16 =	sand.u32 $0x3C00, s16  }
0x10: {  	s31 =	sand.u32 $0x7, s13;
	s16 =	sor.u32 s17, s16;
	s17 =	sadd.s32 s3, s30  }
0x11: {  	s13 =	sshll.u32 s31, $0x12;
	s16 =	sshrl.u32 s16, $0x3;
	s12 =	sadd.s32 s12, s17  }
0x12: {  	[tilespmem:s15+$0x0 ss:$0x81] =	vst.msk $0xffff, v0;
	s13 =	sor.u32 $0x400, s13;
	s12 =	sadd.s32 s16, s12  }
0x13: {  	[hbm4b:s12+s13] =	stream.strided.scatter [tilespmem:s14], [sflag:$0x2], $0x1000, s8, s13, $0x20;
	[tilespmem:$0x4040] =	vst v63  }
.LBB1_5:
0x14: {  	s14 =	sadd.s32 $0x1, s9  }
0x15: {  	s12 =	sadd.s32 $0x1000, s10;
	s16 =	smov.u32 s10;
	p2 =	sgt.s32 s14, $0xC7  }
0x16: {  	s16 =	smov.u32 @p2 s12  }
0x17: {  	s14 =	simm.s32 @p2 $0x0;
	p2 =	sgt.s32 s16, $0x3FFF  }
0x18: {  	s16 =	smov.u32 @p2 s2;
	p2 =	sne.s32 s11, s7  }
.Ltmp1:
0x19: {  	p1 =	slt.u32 s11, $0x2;
	(pc) =	sbr.rel @!p2 .LBB1_6-.Ltmp1, $4  }
0x1a: {  	s15 =	simm.s32 @!p1 $0x2  }
0x1b: {  	s13 =	smov.u32 s10;
	p0 =	por !p0, !p0;
	_ =	swait.ge @!p1 [sflag:s15], $0x1000  }
0x1c: {  	s12 =	smov.u32 s9;
	[sflag:s15] =	ssyncset.done @!p1 $0x0;
	s9 =	smov.u32 s14  }
0x1d: {  	s11 =	sadd.s32 $0x1, s11;
	[sflag:s15] =	ssyncadd.s32 @!p1 $0xFFFFF000;
	s10 =	smov.u32 s16  }
.LBB1_1:
0x1e: {  	p1 =	sge.u32 s11, s5  }
0x1f: {  	s14 =	sand.u32 @!p1 $0x1FFFFFF, s9  }
0x20: {  	s15 =	smulhi.u32 @!p1 $0x147AE15, s14;
	_ =	sdelay $0x1  }
0x21: {  	s15 =	smul.u32 @!p1 $0xC8, s15  }
0x22: {  	s16 =	sxor.u32 @!p1 $0xFFFFFFFF, s11;
	s17 =	smul.u32 @!p1 $0xC80, s10  }
0x23: {  	s31 =	sadd.s32 $0xFFFFFFFF, s11;
	s16 =	sshll.u32 @!p1 s16, $0xC;
	s14 =	ssub.s32 @!p1 s14, s15  }
0x24: {  	s15 =	sand.u32 @!p1 $0x1000, s16;
	s16 =	sadd.s32 @!p1 s6, s17;
	s14 =	sshll.u32 @!p1 s14, $0x4  }
0x25: {  	s17 =	simm.s32 @!p1 $0x6400;
	s14 =	sadd.s32 @!p1 s14, s16;
	s16 =	simm.s32 @!p1 $0x20  }
0x26: {  	[tilespmem:s15], [sflag:$0x1] =	stream.strided.gather @!p1 [hbm4b:s14+s16], $0x1000, s17, s16, $0x38;
	[tilespmem:$0x4040] =	vst v63  }
0x27: {  	p1 =	sge.u32 s31, s5  }
.Ltmp2:
0x28: {  	_ = 	snop;
	(pc) =	sbr.rel @p1 .LBB1_5-.Ltmp2, $1  }
0x29: {  	_ =	sdelay $0x3  }
0x2a: {  	s14 =	simm.s32 $0x1  }
0x2b: {  	_ =	swait.ge [sflag:s4], $0x1000;
	s14 =	simm.s32 @!p0 $0x0  }
0x2c: {  	[sflag:s4] =	ssyncset.done $0x0;
	s15 =	sshll.u32 s14, $0xC  }
0x2d: {  	[sflag:s4] =	ssyncadd.s32 $0xFFFFF000;
	s18 =	sor.u32 $0x10, s15  }
0x2e: {  	s14 =	smul.u32 $0x4080, s14;
	v1 =	vld [tilespmem:s18+$0x0]  }
0x2f: {  	s30 =	sand.u32 $0x1, s11;
	v0 =	vld [tilespmem:s18+$0xFFFFFFF0]  }
0x30: {  	s15 =	smul.u32 $0x4080, s30;
	s14 =	sshrl.u32 s14, $0x2  }
0x31: {  	s16 =	sor.u32 $0x2000, s14  }
0x32: {  	s31 =	sshrl.u32 s15, $0x2;
	s15 =	sadd.s32 $0x0, s16  }
0x33: {  	s17 =	simm.s32 $0x4;
	s18 =	sadd.s32 $0x20, s18;
	s14 =	sor.u32 $0x2000, s31;
	[tilespmem:s15+$0x810 ss:$0x81] =	vst.msk $0xffff, v1  }
.LBB1_3:
0x34: {  	v1 =	vld [tilespmem:s18+$0x0];
	p1 =	sne.s32 s17, $0x1FC;
	[tilespmem:s15+$0x0 ss:$0x81] =	vst.msk $0xffff, v0;
	s15 =	smov.u32 s17;
	s17 =	sadd.s32 $0x4, s17  }
.Ltmp3:
0x35: {  	v0 =	vld [tilespmem:s18+$0xFFFFFFF0];
	(pc) =	sbr.rel @p1 .LBB1_3-.Ltmp3, $4  }
0x36: {  	_ = 	snop  }
0x37: {  	s15 =	sshra.s32 s15, $0x2  }
0x38: {  	s15 =	sadd.s32 s15, s16  }
0x39: {  	s18 =	sadd.s32 $0x20, s18;
	[tilespmem:s15+$0x810 ss:$0x81] =	vst.msk $0xffff, v1  }
.Ltmp4:
0x3a: {  	_ = 	snop;
	(pc) =	sbr.rel .LBB1_4-.Ltmp4, $1  }
0x3b: {  	_ =	sdelay $0x3  }
.LBB1_6:
0x3c: {  	_ =	sfence.sel $0x180000  }
0x3d: {  	s2 =	simm.s32 $0x1;
	[bflag:$0x0] =	sbarrier.arrive $0xFFFF  }
0x3e: {  	s31 =	simm.s32 $0x2;
	[sflag:s2] =	ssyncpa.u1 $0x1  }
0x3f: {  	[sflag:s31] =	ssyncpa.u1 $0x1  }
0x40: {  	p0 =	sne.s32 s0, $0x0;
	_ =	strace $0x9000004A  }
0x41: {  	s0 =	sadd.s32 @!p0 $0x100000, s1;
	[bflag:$0x2] =	sbarrier.arrive $0xFFFF  }
0x42: {  	[sflag:s0] =	ssyncadd.tile.s32 @!p0 $0x1;
	_ =	shalt  }
.Lfunc_end1:
_tile_overlayer_lowered:
.L_overlay_start_2:
0x43: {  	(tag) =	ssettag $0x2  }
0x44: {  	s0 =	rddreg [dreg:$0x0];
	s2 =	stileid.u32  }
0x45: {  	s1 =	rddreg [dreg:$0x1];
	p0 =	sne.s32 s2, $0x0  }
0x46: {  	s3 =	rddreg [dreg:$0x2];
	[bflag:$0x3] =	sbarrier.arrive $0xFFFF;
	s2 =	simm.s32 @!p0 $0x1C01  }
0x47: {  	[timem:s3], [sflag:s2] =	dma.local @!p0 [hbm:s0], s1  }
0x48: {  	s0 =	simm.s32 @!p0 $0x1  }
0x49: {  	_ =	swait.ge @!p0 [sflag:s0], s1  }
0x4a: {  	s1 =	ssub.s32 @!p0 $0x0, s1;
	[sflag:s0] =	ssyncset.done @!p0 $0x0  }
0x4b: {  	[sflag:s0] =	ssyncadd.s32 @!p0 s1  }
0x4c: {  	[bflag:$0x3] =	sbarrier.arrive $0xFFFF  }
0x4d: {  	_ =	shalt  }

</sc_bundles>
